<compile_context>
chip_gen: v7x
topology: tpu7x:2x2x1
jax: 0.10.2.dev20260603
libtpu: 0.0.44.dev20260713+nightly
codegen_flags: <defaults>
</compile_context>

<pallas_src>
import functools

import jax
import jax.numpy as jnp
from jax import lax
from jax.experimental import pallas as pl
from jax.experimental.pallas import tpu as pltpu
from jax.experimental.pallas import tpu_sc as plsc

_NC = 2
_NS = 16
_K = 64
_CPB = 32
_D = 128


def _sc_accumulate(feat, src, dst, typ, nidx, const, *, n_pad,
                   blocks_per_tile):
    B = nidx.shape[0]
    N = feat.shape[0]
    sb = _CPB * _K
    ept = blocks_per_tile * sb
    rows_per_tile = n_pad // _NS
    zcopies = rows_per_tile // _K
    trash = N
    qrows = n_pad // _D
    qpt = qrows // _NS
    qtrash = qrows - 1
    ipt = _D // _NS
    ppb = _CPB // 2
    bpt = B // _NS
    fpt = B // (_NC * _NS)

    mesh = plsc.VectorSubcoreMesh(
        core_axis_name="c", subcore_axis_name="s",
        num_cores=_NC, num_subcores=_NS)

    @functools.partial(
        pl.kernel,
        out_type=(
            jax.ShapeDtypeStruct((_NC, B, _D), jnp.float32),
            jax.ShapeDtypeStruct((B, _D), jnp.float32),
            jax.ShapeDtypeStruct((_NC, B, _D), jnp.float32),
        ),
        mesh=mesh,
        scratch_types=[
            pltpu.VMEM_SHARED((n_pad, _D), jnp.float32),
            pltpu.VMEM_SHARED((qrows, _D), jnp.float32),
            pltpu.VMEM_SHARED((_D, _D), jnp.float32),
            pltpu.VMEM((sb,), jnp.int32),
            pltpu.VMEM((sb,), jnp.int32),
            pltpu.VMEM((sb,), jnp.int32),
            pltpu.VMEM((_K,), jnp.int32),
            pltpu.VMEM((_K,), jnp.int32),
            pltpu.VMEM((_K,), jnp.int32),
            pltpu.VMEM((_K,), jnp.int32),
            pltpu.VMEM((_K,), jnp.int32),
            pltpu.VMEM((_K, _D), jnp.float32),
            pltpu.VMEM((_K, _D), jnp.float32),
            pltpu.VMEM((_K, _D), jnp.float32),
            pltpu.VMEM((_K,), jnp.int32),
            pltpu.SemaphoreType.DMA,
            pltpu.SemaphoreType.DMA,
            pltpu.SemaphoreType.DMA,
        ],
    )
    def k(feat_h, src_h, dst_h, typ_h, nidx_h, const_h,
          gacc_h, gfeat_h, gcnt_h,
          acc_sh, cnt_sh, ident_sh, src_v, dst_v, typ_v, tgt_v, cq_v, col_v,
          idx_a, idx_b, buf_a, buf_b, ohbuf, nidx_v,
          sem_a, sem_b, sem_c):
        c = lax.axis_index("c")
        s = lax.axis_index("s")
        zero16 = jnp.zeros((16,), jnp.float32)

        def zrow(i, _):
            buf_a[i // (_D // 16), pl.ds((i % (_D // 16)) * 16, 16)] = zero16
            return 0
        lax.fori_loop(0, _K * (_D // 16), zrow, 0)
        pltpu.sync_copy(const_h.at[pl.ds(s * ipt, ipt)],
                        ident_sh.at[pl.ds(s * ipt, ipt)])

        def zcp(j, _):
            base = s * rows_per_tile + j * _K
            pltpu.sync_copy(buf_a, acc_sh.at[pl.ds(base, _K)])
            return 0
        lax.fori_loop(0, zcopies, zcp, 0)
        pltpu.sync_copy(buf_a.at[pl.ds(0, qpt)], cnt_sh.at[pl.ds(s * qpt, qpt)])
        plsc.subcore_barrier()

        def gstart(ci, buf, sem, idxbuf):
            for j in range(_K // 16):
                idxbuf[pl.ds(j * 16, 16)] = src_v[pl.ds(ci * _K + j * 16, 16)]
            pltpu.async_copy(feat_h.at[idxbuf], buf, sem)

        def gwait(buf, sem, idxbuf):
            pltpu.make_async_copy(feat_h.at[idxbuf], buf, sem).wait()

        def process(ci, buf):
            for j in range(_K // 16):
                off = ci * _K + j * 16
                t = typ_v[pl.ds(off, 16)]
                d = dst_v[pl.ds(off, 16)]
                own = t == c
                tgt_v[pl.ds(j * 16, 16)] = jnp.where(own, d, trash)
                cq_v[pl.ds(j * 16, 16)] = jnp.where(
                    own, lax.shift_right_logical(d, 7), qtrash)
                col_v[pl.ds(j * 16, 16)] = lax.bitwise_and(d, 127)
            pltpu.async_copy(ident_sh.at[col_v], ohbuf, sem_c)
            pltpu.sync_copy(buf, acc_sh.at[tgt_v], add=True)
            pltpu.make_async_copy(ident_sh.at[col_v], ohbuf, sem_c).wait()
            pltpu.sync_copy(ohbuf, cnt_sh.at[cq_v], add=True)

        def block(b, _):
            ebase = s * ept + b * sb
            pltpu.sync_copy(src_h.at[pl.ds(ebase, sb)], src_v)
            pltpu.sync_copy(dst_h.at[pl.ds(ebase, sb)], dst_v)
            pltpu.sync_copy(typ_h.at[pl.ds(ebase, sb)], typ_v)
            gstart(0, buf_a, sem_a, idx_a)

            def pair(i, _):
                ci = i * 2
                gstart(ci + 1, buf_b, sem_b, idx_b)
                gwait(buf_a, sem_a, idx_a)
                process(ci, buf_a)
                gstart(jnp.minimum(ci + 2, _CPB - 1), buf_a, sem_a, idx_a)
                gwait(buf_b, sem_b, idx_b)
                process(ci + 1, buf_b)
                return 0
            lax.fori_loop(0, ppb, pair, 0)
            gwait(buf_a, sem_a, idx_a)
            return 0
        lax.fori_loop(0, blocks_per_tile, block, 0)
        plsc.subcore_barrier()

        def outgather(jj, _):
            base = s * bpt + jj * _K
            pltpu.sync_copy(nidx_h.at[pl.ds(base, _K)], nidx_v)
            for j in range(_K // 16):
                n16 = nidx_v[pl.ds(j * 16, 16)]
                cq_v[pl.ds(j * 16, 16)] = lax.shift_right_logical(n16, 7)
            pltpu.async_copy(acc_sh.at[nidx_v], buf_a, sem_a)
            pltpu.async_copy(cnt_sh.at[cq_v], ohbuf, sem_c)
            pltpu.make_async_copy(acc_sh.at[nidx_v], buf_a, sem_a).wait()
            pltpu.make_async_copy(cnt_sh.at[cq_v], ohbuf, sem_c).wait()

            def wrout(j, _):
                pltpu.sync_copy(buf_a.at[pl.ds(j * 64, 64)],
                                gacc_h.at[c, pl.ds(base + j * 64, 64)])
                pltpu.sync_copy(ohbuf.at[pl.ds(j * 64, 64)],
                                gcnt_h.at[c, pl.ds(base + j * 64, 64)])
                return 0
            lax.fori_loop(0, _K // 64, wrout, 0)

            def feat_branch():
                pltpu.async_copy(feat_h.at[nidx_v], buf_b, sem_b).wait()

                def wrft(j, _):
                    pltpu.sync_copy(buf_b.at[pl.ds(j * 64, 64)],
                                    gfeat_h.at[pl.ds(base + j * 64, 64)])
                    return 0
                lax.fori_loop(0, _K // 64, wrft, 0)
            lax.cond(c == 0, feat_branch, lambda: None)
            return 0
        lax.fori_loop(0, bpt // _K, outgather, 0)

    return k(feat, src, dst, typ, nidx, const)


def _tc_dense_body(gfeat_r, gacc_r, gcnt_r, nidx_r, basis_r, comp_r, root_r,
                   rb_r, l1w_r, l1b_r, ln1g_r, ln1b_r, m1w_r, m1b_r, mg1_r,
                   mb1_r, m2w_r, m2b_r, mg2_r, mb2_r, m3w_r, m3b_r,
                   c1w_r, c1b_r, cg_r, cb_r, c2w_r, c2b_r,
                   expert_o, prob_o):
    def dot(a, b):
        return lax.dot_general(a, b, (((1,), (0,)), ((), ())),
                               precision=lax.Precision.HIGHEST,
                               preferred_element_type=jnp.float32)

    def ln(x, g, b):
        m = jnp.mean(x, axis=-1, keepdims=True)
        v = jnp.mean((x - m) ** 2, axis=-1, keepdims=True)
        return (x - m) / jnp.sqrt(v + 1e-5) * g + b

    def lrelu(x):
        return jnp.where(x > 0, x, 0.01 * x)

    B = nidx_r.shape[0]
    comp = comp_r[...]
    b0 = basis_r[0]
    b1 = basis_r[1]
    w0 = comp[0:1, 0:1] * b0 + comp[0:1, 1:2] * b1
    w1 = comp[0:1, 2:3] * b0 + comp[0:1, 3:4] * b1
    col = lax.bitwise_and(nidx_r[...], 127)
    oh = lax.broadcasted_iota(jnp.int32, (B, _D), 1) == col
    cnt0 = jnp.sum(jnp.where(oh, gcnt_r[0], 0.0), axis=-1, keepdims=True)
    cnt1 = jnp.sum(jnp.where(oh, gcnt_r[1], 0.0), axis=-1, keepdims=True)
    cnt0 = jnp.maximum(cnt0, 1.0)
    cnt1 = jnp.maximum(cnt1, 1.0)
    out = dot(gfeat_r[...], root_r[...]) + rb_r[...]
    out = out + dot(gacc_r[0] / cnt0, w0) + dot(gacc_r[1] / cnt1, w1)
    h = lrelu(ln(dot(out, l1w_r[...]) + l1b_r[...], ln1g_r[...], ln1b_r[...]))
    z = lrelu(ln(dot(h, m1w_r[...]) + m1b_r[...], mg1_r[...], mb1_r[...]))
    z = lrelu(ln(dot(z, m2w_r[...]) + m2b_r[...], mg2_r[...], mb2_r[...]))
    expert = dot(z, m3w_r[...]) + m3b_r[...]
    expert_o[...] = expert
    cact = lrelu(ln(dot(expert, c1w_r[...]) + c1b_r[...], cg_r[...], cb_r[...]))
    prob_o[...] = jax.nn.sigmoid(dot(cact, c2w_r[...]) + c2b_r[...])


def kernel(node_indices, edge_index, edge_type, feat, basis, comp, root,
           rgcn_b, l1_w, l1_b, ln1_g, ln1_b, m1_w, m1_b, mln1_g, mln1_b,
           m2_w, m2_b, mln2_g, mln2_b, m3_w, m3_b,
           c1_w, c1_b, cln_g, cln_b, c2_w, c2_b):
    N, D = feat.shape
    E = edge_index.shape[1]
    B = node_indices.shape[0]

    src = edge_index[0].astype(jnp.int32)
    dst = edge_index[1].astype(jnp.int32)
    typ = edge_type.astype(jnp.int32)
    nidx = node_indices.astype(jnp.int32)

    sb = _CPB * _K
    nblocks = -(-E // (_NS * sb))
    e_pad = _NS * nblocks * sb
    pad = e_pad - E
    src = jnp.pad(src, (0, pad))
    dst = jnp.pad(dst, (0, pad))
    typ = jnp.pad(typ, (0, pad), constant_values=-1)

    n_pad = -(-(N + 1) // (_NS * _K)) * (_NS * _K)

    const = jnp.eye(_D, dtype=jnp.float32)

    gacc, gfeat, gcnt = _sc_accumulate(
        feat, src, dst, typ, nidx, const, n_pad=n_pad, blocks_per_tile=nblocks)

    row = lambda x: x.reshape(1, -1)
    expert, prob = pl.pallas_call(
        _tc_dense_body,
        out_shape=(
            jax.ShapeDtypeStruct((B, m3_w.shape[1]), jnp.float32),
            jax.ShapeDtypeStruct((B, c2_w.shape[1]), jnp.float32),
        ),
    )(gfeat, gacc, gcnt, nidx[:, None], basis,
      comp.reshape(1, 4), root, row(rgcn_b),
      l1_w, row(l1_b), row(ln1_g), row(ln1_b), m1_w, row(m1_b),
      row(mln1_g), row(mln1_b), m2_w, row(m2_b), row(mln2_g), row(mln2_b),
      m3_w, row(m3_b), c1_w, row(c1_b), row(cln_g), row(cln_b),
      c2_w, row(c2_b))
    return expert, prob

# --- scband reference (transcript-rebuilt; emitter-appended) ---
"""Pipeline reference for scband-graph-expert-43980465111056 (READ-ONLY COPY).

The authoritative reference and input builder live on the scoring server;
editing this copy changes nothing except your own understanding.
"""

import jax, jax.numpy as jnp
import numpy as np


def _ln(x, g, b, eps=1e-5):
    m = x.mean(-1, keepdims=True)
    v = x.var(-1, keepdims=True)
    return (x - m) / jnp.sqrt(v + eps) * g + b


def _lrelu(x):
    return jnp.where(x > 0, x, 0.01 * x)


def setup_inputs(seed: int = 0):
    key = jax.random.key(seed)
    ks = jax.random.split(key, 16)
    N, E, D, R = 10000, 320000, 128, 2

    def p(k, shape, s=0.05):
        return jax.random.normal(k, shape, dtype=jnp.float32) * s

    inp = {}
    inp["node_indices"] = jax.random.randint(ks[0], (4096,), 0, N)
    inp["edge_index"] = jax.random.randint(ks[1], (2, E), 0, N)
    inp["edge_type"] = jax.random.randint(ks[2], (E,), 0, R)
    inp["feat"] = p(ks[3], (N, D), 1.0)
    inp["basis"] = p(ks[4], (R, D, D))
    inp["comp"] = p(ks[5], (R, R), 0.5)
    inp["root"] = p(ks[6], (D, D))
    inp["rgcn_b"] = jnp.zeros((D,), jnp.float32)
    inp["l1_w"] = p(ks[7], (D, D)); inp["l1_b"] = jnp.zeros((D,), jnp.float32)
    inp["ln1_g"] = jnp.ones((D,), jnp.float32); inp["ln1_b"] = jnp.zeros((D,), jnp.float32)
    inp["m1_w"] = p(ks[8], (D, 128)); inp["m1_b"] = jnp.zeros((128,), jnp.float32)
    inp["mln1_g"] = jnp.ones((128,), jnp.float32); inp["mln1_b"] = jnp.zeros((128,), jnp.float32)
    inp["m2_w"] = p(ks[9], (128, 64)); inp["m2_b"] = jnp.zeros((64,), jnp.float32)
    inp["mln2_g"] = jnp.ones((64,), jnp.float32); inp["mln2_b"] = jnp.zeros((64,), jnp.float32)
    inp["m3_w"] = p(ks[10], (64, 64)); inp["m3_b"] = jnp.zeros((64,), jnp.float32)
    inp["c1_w"] = p(ks[11], (64, 32)); inp["c1_b"] = jnp.zeros((32,), jnp.float32)
    inp["cln_g"] = jnp.ones((32,), jnp.float32); inp["cln_b"] = jnp.zeros((32,), jnp.float32)
    inp["c2_w"] = p(ks[12], (32, 1)); inp["c2_b"] = jnp.zeros((1,), jnp.float32)
    return inp


def reference(node_indices, edge_index, edge_type, feat, basis, comp, root, rgcn_b,
              l1_w, l1_b, ln1_g, ln1_b, m1_w, m1_b, mln1_g, mln1_b,
              m2_w, m2_b, mln2_g, mln2_b, m3_w, m3_b,
              c1_w, c1_b, cln_g, cln_b, c2_w, c2_b):
    N, D = feat.shape
    R = basis.shape[0]
    # RGCN with basis decomposition: W_r = sum_b comp[r,b] * basis[b]
    W = jnp.einsum('rb,bio->rio', comp, basis)
    src, dst = edge_index[0], edge_index[1]
    out = feat @ root + rgcn_b
    xs = feat[src]
    for r in range(R):
        mask = (edge_type == r).astype(feat.dtype)
        msg = (xs @ W[r]) * mask[:, None]
        summed = jnp.zeros((N, W.shape[2]), feat.dtype).at[dst].add(msg)
        cnt = jnp.zeros((N,), feat.dtype).at[dst].add(mask)
        out = out + summed / jnp.maximum(cnt, 1.0)[:, None]
    # linear_relu_output1 (dropout is identity in eval)
    h = _lrelu(_ln(out @ l1_w + l1_b, ln1_g, ln1_b))
    hb = h[node_indices]
    # mlp
    z = _lrelu(_ln(hb @ m1_w + m1_b, mln1_g, mln1_b))
    z = _lrelu(_ln(z @ m2_w + m2_b, mln2_g, mln2_b))
    expert = z @ m3_w + m3_b
    # bot classifier
    c = _lrelu(_ln(expert @ c1_w + c1_b, cln_g, cln_b))
    prob = jax.nn.sigmoid(c @ c2_w + c2_b)
    return expert, prob

if __name__ == "__main__":
    import jax
    _d = setup_inputs()
    print(jax.jit(kernel)(*tuple(_d.values())))

</pallas_src>

<mosaic_0001>
#map = affine_map<(d0, d1) -> (0, 0)>
#map1 = affine_map<(d0, d1) -> (0)>
#map2 = affine_map<(d0, d1) -> (0, 0, 0)>
module attributes {stable_mosaic.version = 14 : i64} {
  func.func @k(%arg0: i32, %arg1: i32, %arg2: memref<10000x128xf32, #tpu.memory_space<hbm>>, %arg3: memref<327680xi32, #tpu.memory_space<hbm>>, %arg4: memref<327680xi32, #tpu.memory_space<hbm>>, %arg5: memref<327680xi32, #tpu.memory_space<hbm>>, %arg6: memref<4096xi32, #tpu.memory_space<hbm>>, %arg7: memref<128x128xf32, #tpu.memory_space<hbm>>, %arg8: memref<2x4096x128xf32, #tpu.memory_space<hbm>>, %arg9: memref<4096x128xf32, #tpu.memory_space<hbm>>, %arg10: memref<2x4096x128xf32, #tpu.memory_space<hbm>>, %arg11: memref<10240x128xf32, #tpu.memory_space<vmem_shared>>, %arg12: memref<80x128xf32, #tpu.memory_space<vmem_shared>>, %arg13: memref<128x128xf32, #tpu.memory_space<vmem_shared>>, %arg14: memref<2048xi32, #tpu.memory_space<vmem>>, %arg15: memref<2048xi32, #tpu.memory_space<vmem>>, %arg16: memref<2048xi32, #tpu.memory_space<vmem>>, %arg17: memref<64xi32, #tpu.memory_space<vmem>>, %arg18: memref<64xi32, #tpu.memory_space<vmem>>, %arg19: memref<64xi32, #tpu.memory_space<vmem>>, %arg20: memref<64xi32, #tpu.memory_space<vmem>>, %arg21: memref<64xi32, #tpu.memory_space<vmem>>, %arg22: memref<64x128xf32, #tpu.memory_space<vmem>>, %arg23: memref<64x128xf32, #tpu.memory_space<vmem>>, %arg24: memref<64x128xf32, #tpu.memory_space<vmem>>, %arg25: memref<64xi32, #tpu.memory_space<vmem>>, %arg26: memref<!tpu.dma_semaphore, #tpu.memory_space<semaphore_mem>>, %arg27: memref<!tpu.dma_semaphore, #tpu.memory_space<semaphore_mem>>, %arg28: memref<!tpu.dma_semaphore, #tpu.memory_space<semaphore_mem>>) attributes {dimension_semantics = [#tpu.dimension_semantics<core_parallel>, #tpu.dimension_semantics<subcore_parallel>], iteration_bounds = array<i64: 2, 16>, scalar_prefetch = 0 : i64, scratch_operands = 18 : i64, tpu.core_type = #tpu.core_type<sc_vector_subcore>, window_params = [{transform_indices = #map}, {transform_indices = #map1}, {transform_indices = #map1}, {transform_indices = #map1}, {transform_indices = #map1}, {transform_indices = #map}, {transform_indices = #map2}, {transform_indices = #map}, {transform_indices = #map2}]} {
    %broadcast_in_dim3A = arith.constant 0.000000e+00 : f32
    %broadcast_in_dim3A_0 = vector.broadcast %broadcast_in_dim3A : f32 to vector<16xf32>
    %scan3A = arith.constant 0 : i32
    %scan3A_1 = arith.constant 0 : i32
    %scan3A_2 = arith.constant 512 : i32
    %scan3A_3 = arith.addi %scan3A_1, %scan3A_2 : i32
    %scan3A_4 = arith.constant 1 : i32
    %scan3A_5 = scf.for %scan3A_34 = %scan3A_1 to %scan3A_3 step %scan3A_4 iter_args(%scan3A_35 = %scan3A) -> (i32)  : i32 {
      %jit3A = arith.constant 8 : i32
      %div3A = arith.divsi %scan3A_34, %jit3A : i32
      %sign3A = arith.constant 0 : i32
      %sign3A_36 = arith.cmpi sgt, %scan3A_34, %sign3A : i32
      %sign3A_37 = arith.extui %sign3A_36 : i1 to i32
      %sign3A_38 = arith.constant 0 : i32
      %sign3A_39 = arith.cmpi slt, %scan3A_34, %sign3A_38 : i32
      %sign3A_40 = arith.extui %sign3A_39 : i1 to i32
      %sign3A_41 = arith.subi %sign3A_37, %sign3A_40 : i32
      %sign3A_42 = arith.constant 0 : i32
      %sign3A_43 = arith.cmpi sgt, %jit3A, %sign3A_42 : i32
      %sign3A_44 = arith.extui %sign3A_43 : i1 to i32
      %sign3A_45 = arith.constant 0 : i32
      %sign3A_46 = arith.cmpi slt, %jit3A, %sign3A_45 : i32
      %sign3A_47 = arith.extui %sign3A_46 : i1 to i32
      %sign3A_48 = arith.subi %sign3A_44, %sign3A_47 : i32
      %ne3A = arith.cmpi ne, %sign3A_41, %sign3A_48 : i32
      %rem3A = arith.remsi %scan3A_34, %jit3A : i32
      %ne3A_49 = arith.constant 0 : i32
      %ne3A_50 = arith.cmpi ne, %rem3A, %ne3A_49 : i32
      %and3A = arith.andi %ne3A, %ne3A_50 : i1
      %sub3A = arith.constant 1 : i32
      %sub3A_51 = arith.subi %div3A, %sub3A : i32
      %select_n3A = arith.select %and3A, %sub3A_51, %div3A : i32
      %jit3A_52 = arith.constant 8 : i32
      %eq3A = arith.constant 0 : i32
      %eq3A_53 = arith.cmpi eq, %jit3A_52, %eq3A : i32
      %jit3A_54 = arith.constant 1 : i32
      %select_n3A_55 = arith.select %eq3A_53, %jit3A_54, %jit3A_52 : i32
      %rem3A_56 = arith.remsi %scan3A_34, %select_n3A_55 : i32
      %ne3A_57 = arith.constant 0 : i32
      %ne3A_58 = arith.cmpi ne, %rem3A_56, %ne3A_57 : i32
      %lt3A = arith.constant 0 : i32
      %lt3A_59 = arith.cmpi slt, %rem3A_56, %lt3A : i32
      %lt3A_60 = arith.constant 0 : i32
      %lt3A_61 = arith.cmpi slt, %select_n3A_55, %lt3A_60 : i32
      %ne3A_62 = arith.xori %lt3A_59, %lt3A_61 : i1
      %and3A_63 = arith.andi %ne3A_62, %ne3A_58 : i1
      %add3A = arith.addi %rem3A_56, %select_n3A_55 : i32
      %select_n3A_64 = arith.select %and3A_63, %add3A, %rem3A_56 : i32
      %mul3A_65 = arith.constant 16 : i32
      %mul3A_66 = arith.muli %select_n3A_64, %mul3A_65 : i32
      %swap3A = arith.index_cast %select_n3A : i32 to index
      %swap3A_67 = arith.index_cast %mul3A_66 : i32 to index
      %swap3A_68 = tpu.vector_load %arg22[%swap3A, %swap3A_67] {strides = array<i32>} : memref<64x128xf32, #tpu.memory_space<vmem>>, vector<1x16xf32>,
      %swap3A_69 = vector.shape_cast %swap3A_68 : vector<1x16xf32> to vector<16xf32>
      %swap3A_70 = vector.shape_cast %broadcast_in_dim3A_0 : vector<16xf32> to vector<1x16xf32>
      tpu.vector_store %arg22[%swap3A, %swap3A_67], %swap3A_70 {strides = array<i32>} : memref<64x128xf32, #tpu.memory_space<vmem>>, vector<1x16xf32>,
      %scan3A_71 = arith.constant 0 : i32
      scf.yield %scan3A_71 : i32
    }
    %scan3A_6 = arith.constant 512 : i32
    %mul3A = arith.constant 8 : i32
    %mul3A_7 = arith.muli %arg1, %mul3A : i32
    %mul3A_8 = arith.constant 8 : i32
    %mul3A_9 = arith.muli %arg1, %mul3A_8 : i32
    "tpu.region"() ({
      %run_scoped3A = tpu.sem_alloc : memref<!tpu.dma_semaphore, #tpu.memory_space<semaphore_mem>>
      %dma_start3A = arith.constant 0 : i32
      %dma_start3A_34 = tpu.memref_slice %arg13[%mul3A_9, %dma_start3A] : memref<128x128xf32, #tpu.memory_space<vmem_shared>> -> memref<8x128xf32, #tpu.memory_space<vmem_shared>>
      %dma_start3A_35 = arith.constant 0 : i32
      %dma_start3A_36 = tpu.memref_slice %arg7[%mul3A_7, %dma_start3A_35] : memref<128x128xf32, #tpu.memory_space<hbm>> -> memref<8x128xf32, #tpu.memory_space<hbm>>
      tpu.enqueue_dma source(%dma_start3A_36 : memref<8x128xf32, #tpu.memory_space<hbm>>) target(%dma_start3A_34 : memref<8x128xf32, #tpu.memory_space<vmem_shared>>) target_semaphore(%run_scoped3A : memref<!tpu.dma_semaphore, #tpu.memory_space<semaphore_mem>>)
      %dma_wait3A = arith.constant 0 : i32
      %dma_wait3A_37 = tpu.memref_slice %arg13[%mul3A_9, %dma_wait3A] : memref<128x128xf32, #tpu.memory_space<vmem_shared>> -> memref<8x128xf32, #tpu.memory_space<vmem_shared>>
      %dma_wait3A_38 = arith.constant 0 : i32
      %dma_wait3A_39 = tpu.memref_slice %arg7[%mul3A_7, %dma_wait3A_38] : memref<128x128xf32, #tpu.memory_space<hbm>> -> memref<8x128xf32, #tpu.memory_space<hbm>>
      tpu.wait_dma2 semaphore(%run_scoped3A : memref<!tpu.dma_semaphore, #tpu.memory_space<semaphore_mem>>) src(%dma_wait3A_39 : memref<8x128xf32, #tpu.memory_space<hbm>>) dst(%dma_wait3A_37 : memref<8x128xf32, #tpu.memory_space<vmem_shared>>)
      tpu.yield
    }) : () -> ()
    %scan3A_10 = arith.constant 0 : i32
    %scan3A_11 = arith.constant 0 : i32
    %scan3A_12 = arith.constant 10 : i32
    %scan3A_13 = arith.addi %scan3A_11, %scan3A_12 : i32
    %scan3A_14 = arith.constant 1 : i32
    %scan3A_15 = scf.for %scan3A_34 = %scan3A_11 to %scan3A_13 step %scan3A_14 iter_args(%scan3A_35 = %scan3A_10) -> (i32)  : i32 {
      %mul3A_36 = arith.constant 640 : i32
      %mul3A_37 = arith.muli %arg1, %mul3A_36 : i32
      %mul3A_38 = arith.constant 64 : i32
      %mul3A_39 = arith.muli %scan3A_34, %mul3A_38 : i32
      %add3A = arith.addi %mul3A_37, %mul3A_39 : i32
      "tpu.region"() ({
        %run_scoped3A = tpu.sem_alloc : memref<!tpu.dma_semaphore, #tpu.memory_space<semaphore_mem>>
        %dma_start3A = arith.constant 0 : i32
        %dma_start3A_41 = tpu.memref_slice %arg11[%add3A, %dma_start3A] : memref<10240x128xf32, #tpu.memory_space<vmem_shared>> -> memref<64x128xf32, #tpu.memory_space<vmem_shared>>
        %dma_start3A_42 = arith.constant 0 : i32
        %dma_start3A_43 = tpu.memref_slice %arg11[%add3A, %dma_start3A_42] : memref<10240x128xf32, #tpu.memory_space<vmem_shared>> -> memref<64x128xf32, #tpu.memory_space<vmem_shared>>
        tpu.enqueue_dma source(%arg22 : memref<64x128xf32, #tpu.memory_space<vmem>>) target(%dma_start3A_43 : memref<64x128xf32, #tpu.memory_space<vmem_shared>>) target_semaphore(%run_scoped3A : memref<!tpu.dma_semaphore, #tpu.memory_space<semaphore_mem>>)
        %dma_wait3A = arith.constant 0 : i32
        %dma_wait3A_44 = tpu.memref_slice %arg11[%add3A, %dma_wait3A] : memref<10240x128xf32, #tpu.memory_space<vmem_shared>> -> memref<64x128xf32, #tpu.memory_space<vmem_shared>>
        %dma_wait3A_45 = arith.constant 0 : i32
        %dma_wait3A_46 = tpu.memref_slice %arg11[%add3A, %dma_wait3A_45] : memref<10240x128xf32, #tpu.memory_space<vmem_shared>> -> memref<64x128xf32, #tpu.memory_space<vmem_shared>>
        tpu.wait_dma2 semaphore(%run_scoped3A : memref<!tpu.dma_semaphore, #tpu.memory_space<semaphore_mem>>) src(%arg22 : memref<64x128xf32, #tpu.memory_space<vmem>>) dst(%dma_wait3A_46 : memref<64x128xf32, #tpu.memory_space<vmem_shared>>)
        tpu.yield
      }) : () -> ()
      %scan3A_40 = arith.constant 0 : i32
      scf.yield %scan3A_40 : i32
    }
    %scan3A_16 = arith.constant 10 : i32
    %mul3A_17 = arith.constant 5 : i32
    %mul3A_18 = arith.muli %arg1, %mul3A_17 : i32
    "tpu.region"() ({
      %run_scoped3A = tpu.sem_alloc : memref<!tpu.dma_semaphore, #tpu.memory_space<semaphore_mem>>
      %dma_start3A = arith.constant 0 : i32
      %dma_start3A_34 = arith.constant 0 : i32
      %dma_start3A_35 = tpu.memref_slice %arg22[%dma_start3A, %dma_start3A_34] : memref<64x128xf32, #tpu.memory_space<vmem>> -> memref<5x128xf32, #tpu.memory_space<vmem>>
      %dma_start3A_36 = arith.constant 0 : i32
      %dma_start3A_37 = tpu.memref_slice %arg12[%mul3A_18, %dma_start3A_36] : memref<80x128xf32, #tpu.memory_space<vmem_shared>> -> memref<5x128xf32, #tpu.memory_space<vmem_shared>>
      %dma_start3A_38 = arith.constant 0 : i32
      %dma_start3A_39 = tpu.memref_slice %arg12[%mul3A_18, %dma_start3A_38] : memref<80x128xf32, #tpu.memory_space<vmem_shared>> -> memref<5x128xf32, #tpu.memory_space<vmem_shared>>
      %dma_start3A_40 = arith.constant 0 : i32
      %dma_start3A_41 = arith.constant 0 : i32
      %dma_start3A_42 = tpu.memref_slice %arg22[%dma_start3A_40, %dma_start3A_41] : memref<64x128xf32, #tpu.memory_space<vmem>> -> memref<5x128xf32, #tpu.memory_space<vmem>>
      tpu.enqueue_dma source(%dma_start3A_42 : memref<5x128xf32, #tpu.memory_space<vmem>>) target(%dma_start3A_39 : memref<5x128xf32, #tpu.memory_space<vmem_shared>>) target_semaphore(%run_scoped3A : memref<!tpu.dma_semaphore, #tpu.memory_space<semaphore_mem>>)
      %dma_wait3A = arith.constant 0 : i32
      %dma_wait3A_43 = arith.constant 0 : i32
      %dma_wait3A_44 = tpu.memref_slice %arg22[%dma_wait3A, %dma_wait3A_43] : memref<64x128xf32, #tpu.memory_space<vmem>> -> memref<5x128xf32, #tpu.memory_space<vmem>>
      %dma_wait3A_45 = arith.constant 0 : i32
      %dma_wait3A_46 = tpu.memref_slice %arg12[%mul3A_18, %dma_wait3A_45] : memref<80x128xf32, #tpu.memory_space<vmem_shared>> -> memref<5x128xf32, #tpu.memory_space<vmem_shared>>
      %dma_wait3A_47 = arith.constant 0 : i32
      %dma_wait3A_48 = tpu.memref_slice %arg12[%mul3A_18, %dma_wait3A_47] : memref<80x128xf32, #tpu.memory_space<vmem_shared>> -> memref<5x128xf32, #tpu.memory_space<vmem_shared>>
      %dma_wait3A_49 = arith.constant 0 : i32
      %dma_wait3A_50 = arith.constant 0 : i32
      %dma_wait3A_51 = tpu.memref_slice %arg22[%dma_wait3A_49, %dma_wait3A_50] : memref<64x128xf32, #tpu.memory_space<vmem>> -> memref<5x128xf32, #tpu.memory_space<vmem>>
      tpu.wait_dma2 semaphore(%run_scoped3A : memref<!tpu.dma_semaphore, #tpu.memory_space<semaphore_mem>>) src(%dma_wait3A_51 : memref<5x128xf32, #tpu.memory_space<vmem>>) dst(%dma_wait3A_48 : memref<5x128xf32, #tpu.memory_space<vmem_shared>>)
      tpu.yield
    }) : () -> ()
    %barrier3A = arith.constant 0 : index
    tpu.barrier barrier_id(%barrier3A)
    %scan3A_19 = arith.constant 0 : i32
    %scan3A_20 = arith.constant 0 : i32
    %scan3A_21 = arith.constant 10 : i32
    %scan3A_22 = arith.addi %scan3A_20, %scan3A_21 : i32
    %scan3A_23 = arith.constant 1 : i32
    %scan3A_24 = scf.for %scan3A_34 = %scan3A_20 to %scan3A_22 step %scan3A_23 iter_args(%scan3A_35 = %scan3A_19) -> (i32)  : i32 {
      %mul3A_36 = arith.constant 20480 : i32
      %mul3A_37 = arith.muli %arg1, %mul3A_36 : i32
      %mul3A_38 = arith.constant 2048 : i32
      %mul3A_39 = arith.muli %scan3A_34, %mul3A_38 : i32
      %add3A = arith.addi %mul3A_37, %mul3A_39 : i32
      "tpu.region"() ({
        %run_scoped3A = tpu.sem_alloc : memref<!tpu.dma_semaphore, #tpu.memory_space<semaphore_mem>>
        %dma_start3A_78 = tpu.memref_slice %arg3[%add3A] : memref<327680xi32, #tpu.memory_space<hbm>> -> memref<2048xi32, #tpu.memory_space<hbm>>
        %dma_start3A_79 = tpu.memref_slice %arg3[%add3A] : memref<327680xi32, #tpu.memory_space<hbm>> -> memref<2048xi32, #tpu.memory_space<hbm>>
        tpu.enqueue_dma source(%dma_start3A_79 : memref<2048xi32, #tpu.memory_space<hbm>>) target(%arg14 : memref<2048xi32, #tpu.memory_space<vmem>>) target_semaphore(%run_scoped3A : memref<!tpu.dma_semaphore, #tpu.memory_space<semaphore_mem>>)
        %dma_wait3A_80 = tpu.memref_slice %arg3[%add3A] : memref<327680xi32, #tpu.memory_space<hbm>> -> memref<2048xi32, #tpu.memory_space<hbm>>
        %dma_wait3A_81 = tpu.memref_slice %arg3[%add3A] : memref<327680xi32, #tpu.memory_space<hbm>> -> memref<2048xi32, #tpu.memory_space<hbm>>
        tpu.wait_dma2 semaphore(%run_scoped3A : memref<!tpu.dma_semaphore, #tpu.memory_space<semaphore_mem>>) src(%dma_wait3A_81 : memref<2048xi32, #tpu.memory_space<hbm>>) dst(%arg14 : memref<2048xi32, #tpu.memory_space<vmem>>)
        tpu.yield
      }) : () -> ()
      "tpu.region"() ({
        %run_scoped3A = tpu.sem_alloc : memref<!tpu.dma_semaphore, #tpu.memory_space<semaphore_mem>>
        %dma_start3A_78 = tpu.memref_slice %arg4[%add3A] : memref<327680xi32, #tpu.memory_space<hbm>> -> memref<2048xi32, #tpu.memory_space<hbm>>
        %dma_start3A_79 = tpu.memref_slice %arg4[%add3A] : memref<327680xi32, #tpu.memory_space<hbm>> -> memref<2048xi32, #tpu.memory_space<hbm>>
        tpu.enqueue_dma source(%dma_start3A_79 : memref<2048xi32, #tpu.memory_space<hbm>>) target(%arg15 : memref<2048xi32, #tpu.memory_space<vmem>>) target_semaphore(%run_scoped3A : memref<!tpu.dma_semaphore, #tpu.memory_space<semaphore_mem>>)
        %dma_wait3A_80 = tpu.memref_slice %arg4[%add3A] : memref<327680xi32, #tpu.memory_space<hbm>> -> memref<2048xi32, #tpu.memory_space<hbm>>
        %dma_wait3A_81 = tpu.memref_slice %arg4[%add3A] : memref<327680xi32, #tpu.memory_space<hbm>> -> memref<2048xi32, #tpu.memory_space<hbm>>
        tpu.wait_dma2 semaphore(%run_scoped3A : memref<!tpu.dma_semaphore, #tpu.memory_space<semaphore_mem>>) src(%dma_wait3A_81 : memref<2048xi32, #tpu.memory_space<hbm>>) dst(%arg15 : memref<2048xi32, #tpu.memory_space<vmem>>)
        tpu.yield
      }) : () -> ()
      "tpu.region"() ({
        %run_scoped3A = tpu.sem_alloc : memref<!tpu.dma_semaphore, #tpu.memory_space<semaphore_mem>>
        %dma_start3A_78 = tpu.memref_slice %arg5[%add3A] : memref<327680xi32, #tpu.memory_space<hbm>> -> memref<2048xi32, #tpu.memory_space<hbm>>
        %dma_start3A_79 = tpu.memref_slice %arg5[%add3A] : memref<327680xi32, #tpu.memory_space<hbm>> -> memref<2048xi32, #tpu.memory_space<hbm>>
        tpu.enqueue_dma source(%dma_start3A_79 : memref<2048xi32, #tpu.memory_space<hbm>>) target(%arg16 : memref<2048xi32, #tpu.memory_space<vmem>>) target_semaphore(%run_scoped3A : memref<!tpu.dma_semaphore, #tpu.memory_space<semaphore_mem>>)
        %dma_wait3A_80 = tpu.memref_slice %arg5[%add3A] : memref<327680xi32, #tpu.memory_space<hbm>> -> memref<2048xi32, #tpu.memory_space<hbm>>
        %dma_wait3A_81 = tpu.memref_slice %arg5[%add3A] : memref<327680xi32, #tpu.memory_space<hbm>> -> memref<2048xi32, #tpu.memory_space<hbm>>
        tpu.wait_dma2 semaphore(%run_scoped3A : memref<!tpu.dma_semaphore, #tpu.memory_space<semaphore_mem>>) src(%dma_wait3A_81 : memref<2048xi32, #tpu.memory_space<hbm>>) dst(%arg16 : memref<2048xi32, #tpu.memory_space<vmem>>)
        tpu.yield
      }) : () -> ()
      %get3A = arith.constant 0 : index
      %get3A_40 = tpu.vector_load %arg14[%get3A] {strides = array<i32>} : memref<2048xi32, #tpu.memory_space<vmem>>, vector<16xi32>,
      %get3A_41 = vector.shape_cast %get3A_40 : vector<16xi32> to vector<16xi32>
      %swap3A = arith.constant 0 : index
      %swap3A_42 = tpu.vector_load %arg20[%swap3A] {strides = array<i32>} : memref<64xi32, #tpu.memory_space<vmem>>, vector<16xi32>,
      %swap3A_43 = vector.shape_cast %swap3A_42 : vector<16xi32> to vector<16xi32>
      %swap3A_44 = vector.shape_cast %get3A_41 : vector<16xi32> to vector<16xi32>
      tpu.vector_store %arg20[%swap3A], %swap3A_44 {strides = array<i32>} : memref<64xi32, #tpu.memory_space<vmem>>, vector<16xi32>,
      %get3A_45 = arith.constant 16 : index
      %get3A_46 = tpu.vector_load %arg14[%get3A_45] {strides = array<i32>} : memref<2048xi32, #tpu.memory_space<vmem>>, vector<16xi32>,
      %get3A_47 = vector.shape_cast %get3A_46 : vector<16xi32> to vector<16xi32>
      %swap3A_48 = arith.constant 16 : index
      %swap3A_49 = tpu.vector_load %arg20[%swap3A_48] {strides = array<i32>} : memref<64xi32, #tpu.memory_space<vmem>>, vector<16xi32>,
      %swap3A_50 = vector.shape_cast %swap3A_49 : vector<16xi32> to vector<16xi32>
      %swap3A_51 = vector.shape_cast %get3A_47 : vector<16xi32> to vector<16xi32>
      tpu.vector_store %arg20[%swap3A_48], %swap3A_51 {strides = array<i32>} : memref<64xi32, #tpu.memory_space<vmem>>, vector<16xi32>,
      %get3A_52 = arith.constant 32 : index
      %get3A_53 = tpu.vector_load %arg14[%get3A_52] {strides = array<i32>} : memref<2048xi32, #tpu.memory_space<vmem>>, vector<16xi32>,
      %get3A_54 = vector.shape_cast %get3A_53 : vector<16xi32> to vector<16xi32>
      %swap3A_55 = arith.constant 32 : index
      %swap3A_56 = tpu.vector_load %arg20[%swap3A_55] {strides = array<i32>} : memref<64xi32, #tpu.memory_space<vmem>>, vector<16xi32>,
      %swap3A_57 = vector.shape_cast %swap3A_56 : vector<16xi32> to vector<16xi32>
      %swap3A_58 = vector.shape_cast %get3A_54 : vector<16xi32> to vector<16xi32>
      tpu.vector_store %arg20[%swap3A_55], %swap3A_58 {strides = array<i32>} : memref<64xi32, #tpu.memory_space<vmem>>, vector<16xi32>,
      %get3A_59 = arith.constant 48 : index
      %get3A_60 = tpu.vector_load %arg14[%get3A_59] {strides = array<i32>} : memref<2048xi32, #tpu.memory_space<vmem>>, vector<16xi32>,
      %get3A_61 = vector.shape_cast %get3A_60 : vector<16xi32> to vector<16xi32>
      %swap3A_62 = arith.constant 48 : index
      %swap3A_63 = tpu.vector_load %arg20[%swap3A_62] {strides = array<i32>} : memref<64xi32, #tpu.memory_space<vmem>>, vector<16xi32>,
      %swap3A_64 = vector.shape_cast %swap3A_63 : vector<16xi32> to vector<16xi32>
      %swap3A_65 = vector.shape_cast %get3A_61 : vector<16xi32> to vector<16xi32>
      tpu.vector_store %arg20[%swap3A_62], %swap3A_65 {strides = array<i32>} : memref<64xi32, #tpu.memory_space<vmem>>, vector<16xi32>,
      %dma_start3A = arith.constant 0 : i32
      %dma_start3A_66 = arith.constant 0 : i32
      %dma_start3A_67 = tpu.memref_slice %arg2[%dma_start3A, %dma_start3A_66] : memref<10000x128xf32, #tpu.memory_space<hbm>> -> memref<10000x128xf32, #tpu.memory_space<hbm>>
      tpu.enqueue_indirect_dma source(%dma_start3A_67 : memref<10000x128xf32, #tpu.memory_space<hbm>>) target(%arg22 : memref<64x128xf32, #tpu.memory_space<vmem>>) offsets(%arg20 : memref<64xi32, #tpu.memory_space<vmem>>) semaphore(%arg26 : memref<!tpu.dma_semaphore, #tpu.memory_space<semaphore_mem>>)
      %scan3A_68 = arith.constant 0 : i32
      %scan3A_69 = arith.constant 0 : i32
      %scan3A_70 = arith.constant 16 : i32
      %scan3A_71 = arith.addi %scan3A_69, %scan3A_70 : i32
      %scan3A_72 = arith.constant 1 : i32
      %scan3A_73 = scf.for %scan3A_78 = %scan3A_69 to %scan3A_71 step %scan3A_72 iter_args(%scan3A_79 = %scan3A_68) -> (i32)  : i32 {
        %mul3A_80 = arith.constant 2 : i32
        %mul3A_81 = arith.muli %scan3A_78, %mul3A_80 : i32
        %add3A_82 = arith.constant 1 : i32
        %add3A_83 = arith.addi %mul3A_81, %add3A_82 : i32
        %mul3A_84 = arith.constant 64 : i32
        %mul3A_85 = arith.muli %add3A_83, %mul3A_84 : i32
        %add3A_86 = arith.constant 0 : i32
        %add3A_87 = arith.addi %mul3A_85, %add3A_86 : i32
        %get3A_88 = arith.index_cast %add3A_87 : i32 to index
        %get3A_89 = tpu.vector_load %arg14[%get3A_88] {strides = array<i32>} : memref<2048xi32, #tpu.memory_space<vmem>>, vector<16xi32>,
        %get3A_90 = vector.shape_cast %get3A_89 : vector<16xi32> to vector<16xi32>
        %swap3A_91 = arith.constant 0 : index
        %swap3A_92 = tpu.vector_load %arg21[%swap3A_91] {strides = array<i32>} : memref<64xi32, #tpu.memory_space<vmem>>, vector<16xi32>,
        %swap3A_93 = vector.shape_cast %swap3A_92 : vector<16xi32> to vector<16xi32>
        %swap3A_94 = vector.shape_cast %get3A_90 : vector<16xi32> to vector<16xi32>
        tpu.vector_store %arg21[%swap3A_91], %swap3A_94 {strides = array<i32>} : memref<64xi32, #tpu.memory_space<vmem>>, vector<16xi32>,
        %mul3A_95 = arith.constant 64 : i32
        %mul3A_96 = arith.muli %add3A_83, %mul3A_95 : i32
        %add3A_97 = arith.constant 16 : i32
        %add3A_98 = arith.addi %mul3A_96, %add3A_97 : i32
        %get3A_99 = arith.index_cast %add3A_98 : i32 to index
        %get3A_100 = tpu.vector_load %arg14[%get3A_99] {strides = array<i32>} : memref<2048xi32, #tpu.memory_space<vmem>>, vector<16xi32>,
        %get3A_101 = vector.shape_cast %get3A_100 : vector<16xi32> to vector<16xi32>
        %swap3A_102 = arith.constant 16 : index
        %swap3A_103 = tpu.vector_load %arg21[%swap3A_102] {strides = array<i32>} : memref<64xi32, #tpu.memory_space<vmem>>, vector<16xi32>,
        %swap3A_104 = vector.shape_cast %swap3A_103 : vector<16xi32> to vector<16xi32>
        %swap3A_105 = vector.shape_cast %get3A_101 : vector<16xi32> to vector<16xi32>
        tpu.vector_store %arg21[%swap3A_102], %swap3A_105 {strides = array<i32>} : memref<64xi32, #tpu.memory_space<vmem>>, vector<16xi32>,
        %mul3A_106 = arith.constant 64 : i32
        %mul3A_107 = arith.muli %add3A_83, %mul3A_106 : i32
        %add3A_108 = arith.constant 32 : i32
        %add3A_109 = arith.addi %mul3A_107, %add3A_108 : i32
        %get3A_110 = arith.index_cast %add3A_109 : i32 to index
        %get3A_111 = tpu.vector_load %arg14[%get3A_110] {strides = array<i32>} : memref<2048xi32, #tpu.memory_space<vmem>>, vector<16xi32>,
        %get3A_112 = vector.shape_cast %get3A_111 : vector<16xi32> to vector<16xi32>
        %swap3A_113 = arith.constant 32 : index
        %swap3A_114 = tpu.vector_load %arg21[%swap3A_113] {strides = array<i32>} : memref<64xi32, #tpu.memory_space<vmem>>, vector<16xi32>,
        %swap3A_115 = vector.shape_cast %swap3A_114 : vector<16xi32> to vector<16xi32>
        %swap3A_116 = vector.shape_cast %get3A_112 : vector<16xi32> to vector<16xi32>
        tpu.vector_store %arg21[%swap3A_113], %swap3A_116 {strides = array<i32>} : memref<64xi32, #tpu.memory_space<vmem>>, vector<16xi32>,
        %mul3A_117 = arith.constant 64 : i32
        %mul3A_118 = arith.muli %add3A_83, %mul3A_117 : i32
        %add3A_119 = arith.constant 48 : i32
        %add3A_120 = arith.addi %mul3A_118, %add3A_119 : i32
        %get3A_121 = arith.index_cast %add3A_120 : i32 to index
        %get3A_122 = tpu.vector_load %arg14[%get3A_121] {strides = array<i32>} : memref<2048xi32, #tpu.memory_space<vmem>>, vector<16xi32>,
        %get3A_123 = vector.shape_cast %get3A_122 : vector<16xi32> to vector<16xi32>
        %swap3A_124 = arith.constant 48 : index
        %swap3A_125 = tpu.vector_load %arg21[%swap3A_124] {strides = array<i32>} : memref<64xi32, #tpu.memory_space<vmem>>, vector<16xi32>,
        %swap3A_126 = vector.shape_cast %swap3A_125 : vector<16xi32> to vector<16xi32>
        %swap3A_127 = vector.shape_cast %get3A_123 : vector<16xi32> to vector<16xi32>
        tpu.vector_store %arg21[%swap3A_124], %swap3A_127 {strides = array<i32>} : memref<64xi32, #tpu.memory_space<vmem>>, vector<16xi32>,
        %dma_start3A_128 = arith.constant 0 : i32
        %dma_start3A_129 = arith.constant 0 : i32
        %dma_start3A_130 = tpu.memref_slice %arg2[%dma_start3A_128, %dma_start3A_129] : memref<10000x128xf32, #tpu.memory_space<hbm>> -> memref<10000x128xf32, #tpu.memory_space<hbm>>
        tpu.enqueue_indirect_dma source(%dma_start3A_130 : memref<10000x128xf32, #tpu.memory_space<hbm>>) target(%arg23 : memref<64x128xf32, #tpu.memory_space<vmem>>) offsets(%arg21 : memref<64xi32, #tpu.memory_space<vmem>>) semaphore(%arg27 : memref<!tpu.dma_semaphore, #tpu.memory_space<semaphore_mem>>)
        %dma_wait3A_131 = arith.constant 0 : i32
        %dma_wait3A_132 = arith.constant 0 : i32
        %dma_wait3A_133 = tpu.memref_slice %arg2[%dma_wait3A_131, %dma_wait3A_132] : memref<10000x128xf32, #tpu.memory_space<hbm>> -> memref<10000x128xf32, #tpu.memory_space<hbm>>
        tpu.wait_indirect_dma semaphore(%arg26 : memref<!tpu.dma_semaphore, #tpu.memory_space<semaphore_mem>>) src(%dma_wait3A_133 : memref<10000x128xf32, #tpu.memory_space<hbm>>) dst(%arg22 : memref<64x128xf32, #tpu.memory_space<vmem>>)
        %mul3A_134 = arith.constant 64 : i32
        %mul3A_135 = arith.muli %mul3A_81, %mul3A_134 : i32
        %add3A_136 = arith.constant 0 : i32
        %add3A_137 = arith.addi %mul3A_135, %add3A_136 : i32
        %get3A_138 = arith.index_cast %add3A_137 : i32 to index
        %get3A_139 = tpu.vector_load %arg16[%get3A_138] {strides = array<i32>} : memref<2048xi32, #tpu.memory_space<vmem>>, vector<16xi32>,
        %get3A_140 = vector.shape_cast %get3A_139 : vector<16xi32> to vector<16xi32>
        %get3A_141 = arith.index_cast %add3A_137 : i32 to index
        %get3A_142 = tpu.vector_load %arg15[%get3A_141] {strides = array<i32>} : memref<2048xi32, #tpu.memory_space<vmem>>, vector<16xi32>,
        %get3A_143 = vector.shape_cast %get3A_142 : vector<16xi32> to vector<16xi32>
        %eq3A = vector.broadcast %arg0 : i32 to vector<16xi32>
        %eq3A_144 = arith.cmpi eq, %get3A_140, %eq3A : vector<16xi32>
        %jit3A = arith.constant 10000 : i32
        %broadcast_in_dim3A_145 = vector.broadcast %jit3A : i32 to vector<16xi32>
        %select_n3A = arith.select %eq3A_144, %get3A_143, %broadcast_in_dim3A_145 : vector<16xi1>, vector<16xi32>
        %swap3A_146 = arith.constant 0 : index
        %swap3A_147 = tpu.vector_load %arg17[%swap3A_146] {strides = array<i32>} : memref<64xi32, #tpu.memory_space<vmem>>, vector<16xi32>,
        %swap3A_148 = vector.shape_cast %swap3A_147 : vector<16xi32> to vector<16xi32>
        %swap3A_149 = vector.shape_cast %select_n3A : vector<16xi32> to vector<16xi32>
        tpu.vector_store %arg17[%swap3A_146], %swap3A_149 {strides = array<i32>} : memref<64xi32, #tpu.memory_space<vmem>>, vector<16xi32>,
        %shift_right_logical3A = arith.constant 7 : i32
        %shift_right_logical3A_150 = vector.broadcast %shift_right_logical3A : i32 to vector<16xi32>
        %shift_right_logical3A_151 = arith.shrui %get3A_143, %shift_right_logical3A_150 : vector<16xi32>
        %jit3A_152 = arith.constant 79 : i32
        %broadcast_in_dim3A_153 = vector.broadcast %jit3A_152 : i32 to vector<16xi32>
        %select_n3A_154 = arith.select %eq3A_144, %shift_right_logical3A_151, %broadcast_in_dim3A_153 : vector<16xi1>, vector<16xi32>
        %swap3A_155 = arith.constant 0 : index
        %swap3A_156 = tpu.vector_load %arg18[%swap3A_155] {strides = array<i32>} : memref<64xi32, #tpu.memory_space<vmem>>, vector<16xi32>,
        %swap3A_157 = vector.shape_cast %swap3A_156 : vector<16xi32> to vector<16xi32>
        %swap3A_158 = vector.shape_cast %select_n3A_154 : vector<16xi32> to vector<16xi32>
        tpu.vector_store %arg18[%swap3A_155], %swap3A_158 {strides = array<i32>} : memref<64xi32, #tpu.memory_space<vmem>>, vector<16xi32>,
        %and3A = arith.constant 127 : i32
        %and3A_159 = vector.broadcast %and3A : i32 to vector<16xi32>
        %and3A_160 = arith.andi %get3A_143, %and3A_159 : vector<16xi32>
        %swap3A_161 = arith.constant 0 : index
        %swap3A_162 = tpu.vector_load %arg19[%swap3A_161] {strides = array<i32>} : memref<64xi32, #tpu.memory_space<vmem>>, vector<16xi32>,
        %swap3A_163 = vector.shape_cast %swap3A_162 : vector<16xi32> to vector<16xi32>
        %swap3A_164 = vector.shape_cast %and3A_160 : vector<16xi32> to vector<16xi32>
        tpu.vector_store %arg19[%swap3A_161], %swap3A_164 {strides = array<i32>} : memref<64xi32, #tpu.memory_space<vmem>>, vector<16xi32>,
        %mul3A_165 = arith.constant 64 : i32
        %mul3A_166 = arith.muli %mul3A_81, %mul3A_165 : i32
        %add3A_167 = arith.constant 16 : i32
        %add3A_168 = arith.addi %mul3A_166, %add3A_167 : i32
        %get3A_169 = arith.index_cast %add3A_168 : i32 to index
        %get3A_170 = tpu.vector_load %arg16[%get3A_169] {strides = array<i32>} : memref<2048xi32, #tpu.memory_space<vmem>>, vector<16xi32>,
        %get3A_171 = vector.shape_cast %get3A_170 : vector<16xi32> to vector<16xi32>
        %get3A_172 = arith.index_cast %add3A_168 : i32 to index
        %get3A_173 = tpu.vector_load %arg15[%get3A_172] {strides = array<i32>} : memref<2048xi32, #tpu.memory_space<vmem>>, vector<16xi32>,
        %get3A_174 = vector.shape_cast %get3A_173 : vector<16xi32> to vector<16xi32>
        %eq3A_175 = vector.broadcast %arg0 : i32 to vector<16xi32>
        %eq3A_176 = arith.cmpi eq, %get3A_171, %eq3A_175 : vector<16xi32>
        %jit3A_177 = arith.constant 10000 : i32
        %broadcast_in_dim3A_178 = vector.broadcast %jit3A_177 : i32 to vector<16xi32>
        %select_n3A_179 = arith.select %eq3A_176, %get3A_174, %broadcast_in_dim3A_178 : vector<16xi1>, vector<16xi32>
        %swap3A_180 = arith.constant 16 : index
        %swap3A_181 = tpu.vector_load %arg17[%swap3A_180] {strides = array<i32>} : memref<64xi32, #tpu.memory_space<vmem>>, vector<16xi32>,
        %swap3A_182 = vector.shape_cast %swap3A_181 : vector<16xi32> to vector<16xi32>
        %swap3A_183 = vector.shape_cast %select_n3A_179 : vector<16xi32> to vector<16xi32>
        tpu.vector_store %arg17[%swap3A_180], %swap3A_183 {strides = array<i32>} : memref<64xi32, #tpu.memory_space<vmem>>, vector<16xi32>,
        %shift_right_logical3A_184 = arith.constant 7 : i32
        %shift_right_logical3A_185 = vector.broadcast %shift_right_logical3A_184 : i32 to vector<16xi32>
        %shift_right_logical3A_186 = arith.shrui %get3A_174, %shift_right_logical3A_185 : vector<16xi32>
        %jit3A_187 = arith.constant 79 : i32
        %broadcast_in_dim3A_188 = vector.broadcast %jit3A_187 : i32 to vector<16xi32>
        %select_n3A_189 = arith.select %eq3A_176, %shift_right_logical3A_186, %broadcast_in_dim3A_188 : vector<16xi1>, vector<16xi32>
        %swap3A_190 = arith.constant 16 : index
        %swap3A_191 = tpu.vector_load %arg18[%swap3A_190] {strides = array<i32>} : memref<64xi32, #tpu.memory_space<vmem>>, vector<16xi32>,
        %swap3A_192 = vector.shape_cast %swap3A_191 : vector<16xi32> to vector<16xi32>
        %swap3A_193 = vector.shape_cast %select_n3A_189 : vector<16xi32> to vector<16xi32>
        tpu.vector_store %arg18[%swap3A_190], %swap3A_193 {strides = array<i32>} : memref<64xi32, #tpu.memory_space<vmem>>, vector<16xi32>,
        %and3A_194 = arith.constant 127 : i32
        %and3A_195 = vector.broadcast %and3A_194 : i32 to vector<16xi32>
        %and3A_196 = arith.andi %get3A_174, %and3A_195 : vector<16xi32>
        %swap3A_197 = arith.constant 16 : index
        %swap3A_198 = tpu.vector_load %arg19[%swap3A_197] {strides = array<i32>} : memref<64xi32, #tpu.memory_space<vmem>>, vector<16xi32>,
        %swap3A_199 = vector.shape_cast %swap3A_198 : vector<16xi32> to vector<16xi32>
        %swap3A_200 = vector.shape_cast %and3A_196 : vector<16xi32> to vector<16xi32>
        tpu.vector_store %arg19[%swap3A_197], %swap3A_200 {strides = array<i32>} : memref<64xi32, #tpu.memory_space<vmem>>, vector<16xi32>,
        %mul3A_201 = arith.constant 64 : i32
        %mul3A_202 = arith.muli %mul3A_81, %mul3A_201 : i32
        %add3A_203 = arith.constant 32 : i32
        %add3A_204 = arith.addi %mul3A_202, %add3A_203 : i32
        %get3A_205 = arith.index_cast %add3A_204 : i32 to index
        %get3A_206 = tpu.vector_load %arg16[%get3A_205] {strides = array<i32>} : memref<2048xi32, #tpu.memory_space<vmem>>, vector<16xi32>,
        %get3A_207 = vector.shape_cast %get3A_206 : vector<16xi32> to vector<16xi32>
        %get3A_208 = arith.index_cast %add3A_204 : i32 to index
        %get3A_209 = tpu.vector_load %arg15[%get3A_208] {strides = array<i32>} : memref<2048xi32, #tpu.memory_space<vmem>>, vector<16xi32>,
        %get3A_210 = vector.shape_cast %get3A_209 : vector<16xi32> to vector<16xi32>
        %eq3A_211 = vector.broadcast %arg0 : i32 to vector<16xi32>
        %eq3A_212 = arith.cmpi eq, %get3A_207, %eq3A_211 : vector<16xi32>
        %jit3A_213 = arith.constant 10000 : i32
        %broadcast_in_dim3A_214 = vector.broadcast %jit3A_213 : i32 to vector<16xi32>
        %select_n3A_215 = arith.select %eq3A_212, %get3A_210, %broadcast_in_dim3A_214 : vector<16xi1>, vector<16xi32>
        %swap3A_216 = arith.constant 32 : index
        %swap3A_217 = tpu.vector_load %arg17[%swap3A_216] {strides = array<i32>} : memref<64xi32, #tpu.memory_space<vmem>>, vector<16xi32>,
        %swap3A_218 = vector.shape_cast %swap3A_217 : vector<16xi32> to vector<16xi32>
        %swap3A_219 = vector.shape_cast %select_n3A_215 : vector<16xi32> to vector<16xi32>
        tpu.vector_store %arg17[%swap3A_216], %swap3A_219 {strides = array<i32>} : memref<64xi32, #tpu.memory_space<vmem>>, vector<16xi32>,
        %shift_right_logical3A_220 = arith.constant 7 : i32
        %shift_right_logical3A_221 = vector.broadcast %shift_right_logical3A_220 : i32 to vector<16xi32>
        %shift_right_logical3A_222 = arith.shrui %get3A_210, %shift_right_logical3A_221 : vector<16xi32>
        %jit3A_223 = arith.constant 79 : i32
        %broadcast_in_dim3A_224 = vector.broadcast %jit3A_223 : i32 to vector<16xi32>
        %select_n3A_225 = arith.select %eq3A_212, %shift_right_logical3A_222, %broadcast_in_dim3A_224 : vector<16xi1>, vector<16xi32>
        %swap3A_226 = arith.constant 32 : index
        %swap3A_227 = tpu.vector_load %arg18[%swap3A_226] {strides = array<i32>} : memref<64xi32, #tpu.memory_space<vmem>>, vector<16xi32>,
        %swap3A_228 = vector.shape_cast %swap3A_227 : vector<16xi32> to vector<16xi32>
        %swap3A_229 = vector.shape_cast %select_n3A_225 : vector<16xi32> to vector<16xi32>
        tpu.vector_store %arg18[%swap3A_226], %swap3A_229 {strides = array<i32>} : memref<64xi32, #tpu.memory_space<vmem>>, vector<16xi32>,
        %and3A_230 = arith.constant 127 : i32
        %and3A_231 = vector.broadcast %and3A_230 : i32 to vector<16xi32>
        %and3A_232 = arith.andi %get3A_210, %and3A_231 : vector<16xi32>
        %swap3A_233 = arith.constant 32 : index
        %swap3A_234 = tpu.vector_load %arg19[%swap3A_233] {strides = array<i32>} : memref<64xi32, #tpu.memory_space<vmem>>, vector<16xi32>,
        %swap3A_235 = vector.shape_cast %swap3A_234 : vector<16xi32> to vector<16xi32>
        %swap3A_236 = vector.shape_cast %and3A_232 : vector<16xi32> to vector<16xi32>
        tpu.vector_store %arg19[%swap3A_233], %swap3A_236 {strides = array<i32>} : memref<64xi32, #tpu.memory_space<vmem>>, vector<16xi32>,
        %mul3A_237 = arith.constant 64 : i32
        %mul3A_238 = arith.muli %mul3A_81, %mul3A_237 : i32
        %add3A_239 = arith.constant 48 : i32
        %add3A_240 = arith.addi %mul3A_238, %add3A_239 : i32
        %get3A_241 = arith.index_cast %add3A_240 : i32 to index
        %get3A_242 = tpu.vector_load %arg16[%get3A_241] {strides = array<i32>} : memref<2048xi32, #tpu.memory_space<vmem>>, vector<16xi32>,
        %get3A_243 = vector.shape_cast %get3A_242 : vector<16xi32> to vector<16xi32>
        %get3A_244 = arith.index_cast %add3A_240 : i32 to index
        %get3A_245 = tpu.vector_load %arg15[%get3A_244] {strides = array<i32>} : memref<2048xi32, #tpu.memory_space<vmem>>, vector<16xi32>,
        %get3A_246 = vector.shape_cast %get3A_245 : vector<16xi32> to vector<16xi32>
        %eq3A_247 = vector.broadcast %arg0 : i32 to vector<16xi32>
        %eq3A_248 = arith.cmpi eq, %get3A_243, %eq3A_247 : vector<16xi32>
        %jit3A_249 = arith.constant 10000 : i32
        %broadcast_in_dim3A_250 = vector.broadcast %jit3A_249 : i32 to vector<16xi32>
        %select_n3A_251 = arith.select %eq3A_248, %get3A_246, %broadcast_in_dim3A_250 : vector<16xi1>, vector<16xi32>
        %swap3A_252 = arith.constant 48 : index
        %swap3A_253 = tpu.vector_load %arg17[%swap3A_252] {strides = array<i32>} : memref<64xi32, #tpu.memory_space<vmem>>, vector<16xi32>,
        %swap3A_254 = vector.shape_cast %swap3A_253 : vector<16xi32> to vector<16xi32>
        %swap3A_255 = vector.shape_cast %select_n3A_251 : vector<16xi32> to vector<16xi32>
        tpu.vector_store %arg17[%swap3A_252], %swap3A_255 {strides = array<i32>} : memref<64xi32, #tpu.memory_space<vmem>>, vector<16xi32>,
        %shift_right_logical3A_256 = arith.constant 7 : i32
        %shift_right_logical3A_257 = vector.broadcast %shift_right_logical3A_256 : i32 to vector<16xi32>
        %shift_right_logical3A_258 = arith.shrui %get3A_246, %shift_right_logical3A_257 : vector<16xi32>
        %jit3A_259 = arith.constant 79 : i32
        %broadcast_in_dim3A_260 = vector.broadcast %jit3A_259 : i32 to vector<16xi32>
        %select_n3A_261 = arith.select %eq3A_248, %shift_right_logical3A_258, %broadcast_in_dim3A_260 : vector<16xi1>, vector<16xi32>
        %swap3A_262 = arith.constant 48 : index
        %swap3A_263 = tpu.vector_load %arg18[%swap3A_262] {strides = array<i32>} : memref<64xi32, #tpu.memory_space<vmem>>, vector<16xi32>,
        %swap3A_264 = vector.shape_cast %swap3A_263 : vector<16xi32> to vector<16xi32>
        %swap3A_265 = vector.shape_cast %select_n3A_261 : vector<16xi32> to vector<16xi32>
        tpu.vector_store %arg18[%swap3A_262], %swap3A_265 {strides = array<i32>} : memref<64xi32, #tpu.memory_space<vmem>>, vector<16xi32>,
        %and3A_266 = arith.constant 127 : i32
        %and3A_267 = vector.broadcast %and3A_266 : i32 to vector<16xi32>
        %and3A_268 = arith.andi %get3A_246, %and3A_267 : vector<16xi32>
        %swap3A_269 = arith.constant 48 : index
        %swap3A_270 = tpu.vector_load %arg19[%swap3A_269] {strides = array<i32>} : memref<64xi32, #tpu.memory_space<vmem>>, vector<16xi32>,
        %swap3A_271 = vector.shape_cast %swap3A_270 : vector<16xi32> to vector<16xi32>
        %swap3A_272 = vector.shape_cast %and3A_268 : vector<16xi32> to vector<16xi32>
        tpu.vector_store %arg19[%swap3A_269], %swap3A_272 {strides = array<i32>} : memref<64xi32, #tpu.memory_space<vmem>>, vector<16xi32>,
        %dma_start3A_273 = arith.constant 0 : i32
        %dma_start3A_274 = arith.constant 0 : i32
        %dma_start3A_275 = tpu.memref_slice %arg13[%dma_start3A_273, %dma_start3A_274] : memref<128x128xf32, #tpu.memory_space<vmem_shared>> -> memref<128x128xf32, #tpu.memory_space<vmem_shared>>
        tpu.enqueue_indirect_dma source(%dma_start3A_275 : memref<128x128xf32, #tpu.memory_space<vmem_shared>>) target(%arg24 : memref<64x128xf32, #tpu.memory_space<vmem>>) offsets(%arg19 : memref<64xi32, #tpu.memory_space<vmem>>) semaphore(%arg28 : memref<!tpu.dma_semaphore, #tpu.memory_space<semaphore_mem>>)
        "tpu.region"() ({
          %run_scoped3A = tpu.sem_alloc : memref<!tpu.dma_semaphore, #tpu.memory_space<semaphore_mem>>
          %dma_start3A_485 = arith.constant 0 : i32
          %dma_start3A_486 = arith.constant 0 : i32
          %dma_start3A_487 = tpu.memref_slice %arg11[%dma_start3A_485, %dma_start3A_486] : memref<10240x128xf32, #tpu.memory_space<vmem_shared>> -> memref<10240x128xf32, #tpu.memory_space<vmem_shared>>
          tpu.enqueue_indirect_dma source(%arg22 : memref<64x128xf32, #tpu.memory_space<vmem>>) target(%dma_start3A_487 : memref<10240x128xf32, #tpu.memory_space<vmem_shared>>) offsets(%arg17 : memref<64xi32, #tpu.memory_space<vmem>>) semaphore(%run_scoped3A : memref<!tpu.dma_semaphore, #tpu.memory_space<semaphore_mem>>) {add = true}
          %dma_wait3A_488 = arith.constant 0 : i32
          %dma_wait3A_489 = arith.constant 0 : i32
          %dma_wait3A_490 = tpu.memref_slice %arg11[%dma_wait3A_488, %dma_wait3A_489] : memref<10240x128xf32, #tpu.memory_space<vmem_shared>> -> memref<10240x128xf32, #tpu.memory_space<vmem_shared>>
          tpu.wait_indirect_dma semaphore(%run_scoped3A : memref<!tpu.dma_semaphore, #tpu.memory_space<semaphore_mem>>) src(%arg22 : memref<64x128xf32, #tpu.memory_space<vmem>>) dst(%dma_wait3A_490 : memref<10240x128xf32, #tpu.memory_space<vmem_shared>>)
          tpu.yield
        }) : () -> ()
        %dma_wait3A_276 = arith.constant 0 : i32
        %dma_wait3A_277 = arith.constant 0 : i32
        %dma_wait3A_278 = tpu.memref_slice %arg13[%dma_wait3A_276, %dma_wait3A_277] : memref<128x128xf32, #tpu.memory_space<vmem_shared>> -> memref<128x128xf32, #tpu.memory_space<vmem_shared>>
        tpu.wait_indirect_dma semaphore(%arg28 : memref<!tpu.dma_semaphore, #tpu.memory_space<semaphore_mem>>) src(%dma_wait3A_278 : memref<128x128xf32, #tpu.memory_space<vmem_shared>>) dst(%arg24 : memref<64x128xf32, #tpu.memory_space<vmem>>)
        "tpu.region"() ({
          %run_scoped3A = tpu.sem_alloc : memref<!tpu.dma_semaphore, #tpu.memory_space<semaphore_mem>>
          %dma_start3A_485 = arith.constant 0 : i32
          %dma_start3A_486 = arith.constant 0 : i32
          %dma_start3A_487 = tpu.memref_slice %arg12[%dma_start3A_485, %dma_start3A_486] : memref<80x128xf32, #tpu.memory_space<vmem_shared>> -> memref<80x128xf32, #tpu.memory_space<vmem_shared>>
          tpu.enqueue_indirect_dma source(%arg24 : memref<64x128xf32, #tpu.memory_space<vmem>>) target(%dma_start3A_487 : memref<80x128xf32, #tpu.memory_space<vmem_shared>>) offsets(%arg18 : memref<64xi32, #tpu.memory_space<vmem>>) semaphore(%run_scoped3A : memref<!tpu.dma_semaphore, #tpu.memory_space<semaphore_mem>>) {add = true}
          %dma_wait3A_488 = arith.constant 0 : i32
          %dma_wait3A_489 = arith.constant 0 : i32
          %dma_wait3A_490 = tpu.memref_slice %arg12[%dma_wait3A_488, %dma_wait3A_489] : memref<80x128xf32, #tpu.memory_space<vmem_shared>> -> memref<80x128xf32, #tpu.memory_space<vmem_shared>>
          tpu.wait_indirect_dma semaphore(%run_scoped3A : memref<!tpu.dma_semaphore, #tpu.memory_space<semaphore_mem>>) src(%arg24 : memref<64x128xf32, #tpu.memory_space<vmem>>) dst(%dma_wait3A_490 : memref<80x128xf32, #tpu.memory_space<vmem_shared>>)
          tpu.yield
        }) : () -> ()
        %add3A_279 = arith.constant 2 : i32
        %add3A_280 = arith.addi %mul3A_81, %add3A_279 : i32
        %min3A = arith.constant 31 : i32
        %min3A_281 = arith.minsi %add3A_280, %min3A : i32
        %mul3A_282 = arith.constant 64 : i32
        %mul3A_283 = arith.muli %min3A_281, %mul3A_282 : i32
        %add3A_284 = arith.constant 0 : i32
        %add3A_285 = arith.addi %mul3A_283, %add3A_284 : i32
        %get3A_286 = arith.index_cast %add3A_285 : i32 to index
        %get3A_287 = tpu.vector_load %arg14[%get3A_286] {strides = array<i32>} : memref<2048xi32, #tpu.memory_space<vmem>>, vector<16xi32>,
        %get3A_288 = vector.shape_cast %get3A_287 : vector<16xi32> to vector<16xi32>
        %swap3A_289 = arith.constant 0 : index
        %swap3A_290 = tpu.vector_load %arg20[%swap3A_289] {strides = array<i32>} : memref<64xi32, #tpu.memory_space<vmem>>, vector<16xi32>,
        %swap3A_291 = vector.shape_cast %swap3A_290 : vector<16xi32> to vector<16xi32>
        %swap3A_292 = vector.shape_cast %get3A_288 : vector<16xi32> to vector<16xi32>
        tpu.vector_store %arg20[%swap3A_289], %swap3A_292 {strides = array<i32>} : memref<64xi32, #tpu.memory_space<vmem>>, vector<16xi32>,
        %mul3A_293 = arith.constant 64 : i32
        %mul3A_294 = arith.muli %min3A_281, %mul3A_293 : i32
        %add3A_295 = arith.constant 16 : i32
        %add3A_296 = arith.addi %mul3A_294, %add3A_295 : i32
        %get3A_297 = arith.index_cast %add3A_296 : i32 to index
        %get3A_298 = tpu.vector_load %arg14[%get3A_297] {strides = array<i32>} : memref<2048xi32, #tpu.memory_space<vmem>>, vector<16xi32>,
        %get3A_299 = vector.shape_cast %get3A_298 : vector<16xi32> to vector<16xi32>
        %swap3A_300 = arith.constant 16 : index
        %swap3A_301 = tpu.vector_load %arg20[%swap3A_300] {strides = array<i32>} : memref<64xi32, #tpu.memory_space<vmem>>, vector<16xi32>,
        %swap3A_302 = vector.shape_cast %swap3A_301 : vector<16xi32> to vector<16xi32>
        %swap3A_303 = vector.shape_cast %get3A_299 : vector<16xi32> to vector<16xi32>
        tpu.vector_store %arg20[%swap3A_300], %swap3A_303 {strides = array<i32>} : memref<64xi32, #tpu.memory_space<vmem>>, vector<16xi32>,
        %mul3A_304 = arith.constant 64 : i32
        %mul3A_305 = arith.muli %min3A_281, %mul3A_304 : i32
        %add3A_306 = arith.constant 32 : i32
        %add3A_307 = arith.addi %mul3A_305, %add3A_306 : i32
        %get3A_308 = arith.index_cast %add3A_307 : i32 to index
        %get3A_309 = tpu.vector_load %arg14[%get3A_308] {strides = array<i32>} : memref<2048xi32, #tpu.memory_space<vmem>>, vector<16xi32>,
        %get3A_310 = vector.shape_cast %get3A_309 : vector<16xi32> to vector<16xi32>
        %swap3A_311 = arith.constant 32 : index
        %swap3A_312 = tpu.vector_load %arg20[%swap3A_311] {strides = array<i32>} : memref<64xi32, #tpu.memory_space<vmem>>, vector<16xi32>,
        %swap3A_313 = vector.shape_cast %swap3A_312 : vector<16xi32> to vector<16xi32>
        %swap3A_314 = vector.shape_cast %get3A_310 : vector<16xi32> to vector<16xi32>
        tpu.vector_store %arg20[%swap3A_311], %swap3A_314 {strides = array<i32>} : memref<64xi32, #tpu.memory_space<vmem>>, vector<16xi32>,
        %mul3A_315 = arith.constant 64 : i32
        %mul3A_316 = arith.muli %min3A_281, %mul3A_315 : i32
        %add3A_317 = arith.constant 48 : i32
        %add3A_318 = arith.addi %mul3A_316, %add3A_317 : i32
        %get3A_319 = arith.index_cast %add3A_318 : i32 to index
        %get3A_320 = tpu.vector_load %arg14[%get3A_319] {strides = array<i32>} : memref<2048xi32, #tpu.memory_space<vmem>>, vector<16xi32>,
        %get3A_321 = vector.shape_cast %get3A_320 : vector<16xi32> to vector<16xi32>
        %swap3A_322 = arith.constant 48 : index
        %swap3A_323 = tpu.vector_load %arg20[%swap3A_322] {strides = array<i32>} : memref<64xi32, #tpu.memory_space<vmem>>, vector<16xi32>,
        %swap3A_324 = vector.shape_cast %swap3A_323 : vector<16xi32> to vector<16xi32>
        %swap3A_325 = vector.shape_cast %get3A_321 : vector<16xi32> to vector<16xi32>
        tpu.vector_store %arg20[%swap3A_322], %swap3A_325 {strides = array<i32>} : memref<64xi32, #tpu.memory_space<vmem>>, vector<16xi32>,
        %dma_start3A_326 = arith.constant 0 : i32
        %dma_start3A_327 = arith.constant 0 : i32
        %dma_start3A_328 = tpu.memref_slice %arg2[%dma_start3A_326, %dma_start3A_327] : memref<10000x128xf32, #tpu.memory_space<hbm>> -> memref<10000x128xf32, #tpu.memory_space<hbm>>
        tpu.enqueue_indirect_dma source(%dma_start3A_328 : memref<10000x128xf32, #tpu.memory_space<hbm>>) target(%arg22 : memref<64x128xf32, #tpu.memory_space<vmem>>) offsets(%arg20 : memref<64xi32, #tpu.memory_space<vmem>>) semaphore(%arg26 : memref<!tpu.dma_semaphore, #tpu.memory_space<semaphore_mem>>)
        %dma_wait3A_329 = arith.constant 0 : i32
        %dma_wait3A_330 = arith.constant 0 : i32
        %dma_wait3A_331 = tpu.memref_slice %arg2[%dma_wait3A_329, %dma_wait3A_330] : memref<10000x128xf32, #tpu.memory_space<hbm>> -> memref<10000x128xf32, #tpu.memory_space<hbm>>
        tpu.wait_indirect_dma semaphore(%arg27 : memref<!tpu.dma_semaphore, #tpu.memory_space<semaphore_mem>>) src(%dma_wait3A_331 : memref<10000x128xf32, #tpu.memory_space<hbm>>) dst(%arg23 : memref<64x128xf32, #tpu.memory_space<vmem>>)
        %add3A_332 = arith.constant 1 : i32
        %add3A_333 = arith.addi %mul3A_81, %add3A_332 : i32
        %mul3A_334 = arith.constant 64 : i32
        %mul3A_335 = arith.muli %add3A_333, %mul3A_334 : i32
        %add3A_336 = arith.constant 0 : i32
        %add3A_337 = arith.addi %mul3A_335, %add3A_336 : i32
        %get3A_338 = arith.index_cast %add3A_337 : i32 to index
        %get3A_339 = tpu.vector_load %arg16[%get3A_338] {strides = array<i32>} : memref<2048xi32, #tpu.memory_space<vmem>>, vector<16xi32>,
        %get3A_340 = vector.shape_cast %get3A_339 : vector<16xi32> to vector<16xi32>
        %get3A_341 = arith.index_cast %add3A_337 : i32 to index
        %get3A_342 = tpu.vector_load %arg15[%get3A_341] {strides = array<i32>} : memref<2048xi32, #tpu.memory_space<vmem>>, vector<16xi32>,
        %get3A_343 = vector.shape_cast %get3A_342 : vector<16xi32> to vector<16xi32>
        %eq3A_344 = vector.broadcast %arg0 : i32 to vector<16xi32>
        %eq3A_345 = arith.cmpi eq, %get3A_340, %eq3A_344 : vector<16xi32>
        %jit3A_346 = arith.constant 10000 : i32
        %broadcast_in_dim3A_347 = vector.broadcast %jit3A_346 : i32 to vector<16xi32>
        %select_n3A_348 = arith.select %eq3A_345, %get3A_343, %broadcast_in_dim3A_347 : vector<16xi1>, vector<16xi32>
        %swap3A_349 = arith.constant 0 : index
        %swap3A_350 = tpu.vector_load %arg17[%swap3A_349] {strides = array<i32>} : memref<64xi32, #tpu.memory_space<vmem>>, vector<16xi32>,
        %swap3A_351 = vector.shape_cast %swap3A_350 : vector<16xi32> to vector<16xi32>
        %swap3A_352 = vector.shape_cast %select_n3A_348 : vector<16xi32> to vector<16xi32>
        tpu.vector_store %arg17[%swap3A_349], %swap3A_352 {strides = array<i32>} : memref<64xi32, #tpu.memory_space<vmem>>, vector<16xi32>,
        %shift_right_logical3A_353 = arith.constant 7 : i32
        %shift_right_logical3A_354 = vector.broadcast %shift_right_logical3A_353 : i32 to vector<16xi32>
        %shift_right_logical3A_355 = arith.shrui %get3A_343, %shift_right_logical3A_354 : vector<16xi32>
        %jit3A_356 = arith.constant 79 : i32
        %broadcast_in_dim3A_357 = vector.broadcast %jit3A_356 : i32 to vector<16xi32>
        %select_n3A_358 = arith.select %eq3A_345, %shift_right_logical3A_355, %broadcast_in_dim3A_357 : vector<16xi1>, vector<16xi32>
        %swap3A_359 = arith.constant 0 : index
        %swap3A_360 = tpu.vector_load %arg18[%swap3A_359] {strides = array<i32>} : memref<64xi32, #tpu.memory_space<vmem>>, vector<16xi32>,
        %swap3A_361 = vector.shape_cast %swap3A_360 : vector<16xi32> to vector<16xi32>
        %swap3A_362 = vector.shape_cast %select_n3A_358 : vector<16xi32> to vector<16xi32>
        tpu.vector_store %arg18[%swap3A_359], %swap3A_362 {strides = array<i32>} : memref<64xi32, #tpu.memory_space<vmem>>, vector<16xi32>,
        %and3A_363 = arith.constant 127 : i32
        %and3A_364 = vector.broadcast %and3A_363 : i32 to vector<16xi32>
        %and3A_365 = arith.andi %get3A_343, %and3A_364 : vector<16xi32>
        %swap3A_366 = arith.constant 0 : index
        %swap3A_367 = tpu.vector_load %arg19[%swap3A_366] {strides = array<i32>} : memref<64xi32, #tpu.memory_space<vmem>>, vector<16xi32>,
        %swap3A_368 = vector.shape_cast %swap3A_367 : vector<16xi32> to vector<16xi32>
        %swap3A_369 = vector.shape_cast %and3A_365 : vector<16xi32> to vector<16xi32>
        tpu.vector_store %arg19[%swap3A_366], %swap3A_369 {strides = array<i32>} : memref<64xi32, #tpu.memory_space<vmem>>, vector<16xi32>,
        %mul3A_370 = arith.constant 64 : i32
        %mul3A_371 = arith.muli %add3A_333, %mul3A_370 : i32
        %add3A_372 = arith.constant 16 : i32
        %add3A_373 = arith.addi %mul3A_371, %add3A_372 : i32
        %get3A_374 = arith.index_cast %add3A_373 : i32 to index
        %get3A_375 = tpu.vector_load %arg16[%get3A_374] {strides = array<i32>} : memref<2048xi32, #tpu.memory_space<vmem>>, vector<16xi32>,
        %get3A_376 = vector.shape_cast %get3A_375 : vector<16xi32> to vector<16xi32>
        %get3A_377 = arith.index_cast %add3A_373 : i32 to index
        %get3A_378 = tpu.vector_load %arg15[%get3A_377] {strides = array<i32>} : memref<2048xi32, #tpu.memory_space<vmem>>, vector<16xi32>,
        %get3A_379 = vector.shape_cast %get3A_378 : vector<16xi32> to vector<16xi32>
        %eq3A_380 = vector.broadcast %arg0 : i32 to vector<16xi32>
        %eq3A_381 = arith.cmpi eq, %get3A_376, %eq3A_380 : vector<16xi32>
        %jit3A_382 = arith.constant 10000 : i32
        %broadcast_in_dim3A_383 = vector.broadcast %jit3A_382 : i32 to vector<16xi32>
        %select_n3A_384 = arith.select %eq3A_381, %get3A_379, %broadcast_in_dim3A_383 : vector<16xi1>, vector<16xi32>
        %swap3A_385 = arith.constant 16 : index
        %swap3A_386 = tpu.vector_load %arg17[%swap3A_385] {strides = array<i32>} : memref<64xi32, #tpu.memory_space<vmem>>, vector<16xi32>,
        %swap3A_387 = vector.shape_cast %swap3A_386 : vector<16xi32> to vector<16xi32>
        %swap3A_388 = vector.shape_cast %select_n3A_384 : vector<16xi32> to vector<16xi32>
        tpu.vector_store %arg17[%swap3A_385], %swap3A_388 {strides = array<i32>} : memref<64xi32, #tpu.memory_space<vmem>>, vector<16xi32>,
        %shift_right_logical3A_389 = arith.constant 7 : i32
        %shift_right_logical3A_390 = vector.broadcast %shift_right_logical3A_389 : i32 to vector<16xi32>
        %shift_right_logical3A_391 = arith.shrui %get3A_379, %shift_right_logical3A_390 : vector<16xi32>
        %jit3A_392 = arith.constant 79 : i32
        %broadcast_in_dim3A_393 = vector.broadcast %jit3A_392 : i32 to vector<16xi32>
        %select_n3A_394 = arith.select %eq3A_381, %shift_right_logical3A_391, %broadcast_in_dim3A_393 : vector<16xi1>, vector<16xi32>
        %swap3A_395 = arith.constant 16 : index
        %swap3A_396 = tpu.vector_load %arg18[%swap3A_395] {strides = array<i32>} : memref<64xi32, #tpu.memory_space<vmem>>, vector<16xi32>,
        %swap3A_397 = vector.shape_cast %swap3A_396 : vector<16xi32> to vector<16xi32>
        %swap3A_398 = vector.shape_cast %select_n3A_394 : vector<16xi32> to vector<16xi32>
        tpu.vector_store %arg18[%swap3A_395], %swap3A_398 {strides = array<i32>} : memref<64xi32, #tpu.memory_space<vmem>>, vector<16xi32>,
        %and3A_399 = arith.constant 127 : i32
        %and3A_400 = vector.broadcast %and3A_399 : i32 to vector<16xi32>
        %and3A_401 = arith.andi %get3A_379, %and3A_400 : vector<16xi32>
        %swap3A_402 = arith.constant 16 : index
        %swap3A_403 = tpu.vector_load %arg19[%swap3A_402] {strides = array<i32>} : memref<64xi32, #tpu.memory_space<vmem>>, vector<16xi32>,
        %swap3A_404 = vector.shape_cast %swap3A_403 : vector<16xi32> to vector<16xi32>
        %swap3A_405 = vector.shape_cast %and3A_401 : vector<16xi32> to vector<16xi32>
        tpu.vector_store %arg19[%swap3A_402], %swap3A_405 {strides = array<i32>} : memref<64xi32, #tpu.memory_space<vmem>>, vector<16xi32>,
        %mul3A_406 = arith.constant 64 : i32
        %mul3A_407 = arith.muli %add3A_333, %mul3A_406 : i32
        %add3A_408 = arith.constant 32 : i32
        %add3A_409 = arith.addi %mul3A_407, %add3A_408 : i32
        %get3A_410 = arith.index_cast %add3A_409 : i32 to index
        %get3A_411 = tpu.vector_load %arg16[%get3A_410] {strides = array<i32>} : memref<2048xi32, #tpu.memory_space<vmem>>, vector<16xi32>,
        %get3A_412 = vector.shape_cast %get3A_411 : vector<16xi32> to vector<16xi32>
        %get3A_413 = arith.index_cast %add3A_409 : i32 to index
        %get3A_414 = tpu.vector_load %arg15[%get3A_413] {strides = array<i32>} : memref<2048xi32, #tpu.memory_space<vmem>>, vector<16xi32>,
        %get3A_415 = vector.shape_cast %get3A_414 : vector<16xi32> to vector<16xi32>
        %eq3A_416 = vector.broadcast %arg0 : i32 to vector<16xi32>
        %eq3A_417 = arith.cmpi eq, %get3A_412, %eq3A_416 : vector<16xi32>
        %jit3A_418 = arith.constant 10000 : i32
        %broadcast_in_dim3A_419 = vector.broadcast %jit3A_418 : i32 to vector<16xi32>
        %select_n3A_420 = arith.select %eq3A_417, %get3A_415, %broadcast_in_dim3A_419 : vector<16xi1>, vector<16xi32>
        %swap3A_421 = arith.constant 32 : index
        %swap3A_422 = tpu.vector_load %arg17[%swap3A_421] {strides = array<i32>} : memref<64xi32, #tpu.memory_space<vmem>>, vector<16xi32>,
        %swap3A_423 = vector.shape_cast %swap3A_422 : vector<16xi32> to vector<16xi32>
        %swap3A_424 = vector.shape_cast %select_n3A_420 : vector<16xi32> to vector<16xi32>
        tpu.vector_store %arg17[%swap3A_421], %swap3A_424 {strides = array<i32>} : memref<64xi32, #tpu.memory_space<vmem>>, vector<16xi32>,
        %shift_right_logical3A_425 = arith.constant 7 : i32
        %shift_right_logical3A_426 = vector.broadcast %shift_right_logical3A_425 : i32 to vector<16xi32>
        %shift_right_logical3A_427 = arith.shrui %get3A_415, %shift_right_logical3A_426 : vector<16xi32>
        %jit3A_428 = arith.constant 79 : i32
        %broadcast_in_dim3A_429 = vector.broadcast %jit3A_428 : i32 to vector<16xi32>
        %select_n3A_430 = arith.select %eq3A_417, %shift_right_logical3A_427, %broadcast_in_dim3A_429 : vector<16xi1>, vector<16xi32>
        %swap3A_431 = arith.constant 32 : index
        %swap3A_432 = tpu.vector_load %arg18[%swap3A_431] {strides = array<i32>} : memref<64xi32, #tpu.memory_space<vmem>>, vector<16xi32>,
        %swap3A_433 = vector.shape_cast %swap3A_432 : vector<16xi32> to vector<16xi32>
        %swap3A_434 = vector.shape_cast %select_n3A_430 : vector<16xi32> to vector<16xi32>
        tpu.vector_store %arg18[%swap3A_431], %swap3A_434 {strides = array<i32>} : memref<64xi32, #tpu.memory_space<vmem>>, vector<16xi32>,
        %and3A_435 = arith.constant 127 : i32
        %and3A_436 = vector.broadcast %and3A_435 : i32 to vector<16xi32>
        %and3A_437 = arith.andi %get3A_415, %and3A_436 : vector<16xi32>
        %swap3A_438 = arith.constant 32 : index
        %swap3A_439 = tpu.vector_load %arg19[%swap3A_438] {strides = array<i32>} : memref<64xi32, #tpu.memory_space<vmem>>, vector<16xi32>,
        %swap3A_440 = vector.shape_cast %swap3A_439 : vector<16xi32> to vector<16xi32>
        %swap3A_441 = vector.shape_cast %and3A_437 : vector<16xi32> to vector<16xi32>
        tpu.vector_store %arg19[%swap3A_438], %swap3A_441 {strides = array<i32>} : memref<64xi32, #tpu.memory_space<vmem>>, vector<16xi32>,
        %mul3A_442 = arith.constant 64 : i32
        %mul3A_443 = arith.muli %add3A_333, %mul3A_442 : i32
        %add3A_444 = arith.constant 48 : i32
        %add3A_445 = arith.addi %mul3A_443, %add3A_444 : i32
        %get3A_446 = arith.index_cast %add3A_445 : i32 to index
        %get3A_447 = tpu.vector_load %arg16[%get3A_446] {strides = array<i32>} : memref<2048xi32, #tpu.memory_space<vmem>>, vector<16xi32>,
        %get3A_448 = vector.shape_cast %get3A_447 : vector<16xi32> to vector<16xi32>
        %get3A_449 = arith.index_cast %add3A_445 : i32 to index
        %get3A_450 = tpu.vector_load %arg15[%get3A_449] {strides = array<i32>} : memref<2048xi32, #tpu.memory_space<vmem>>, vector<16xi32>,
        %get3A_451 = vector.shape_cast %get3A_450 : vector<16xi32> to vector<16xi32>
        %eq3A_452 = vector.broadcast %arg0 : i32 to vector<16xi32>
        %eq3A_453 = arith.cmpi eq, %get3A_448, %eq3A_452 : vector<16xi32>
        %jit3A_454 = arith.constant 10000 : i32
        %broadcast_in_dim3A_455 = vector.broadcast %jit3A_454 : i32 to vector<16xi32>
        %select_n3A_456 = arith.select %eq3A_453, %get3A_451, %broadcast_in_dim3A_455 : vector<16xi1>, vector<16xi32>
        %swap3A_457 = arith.constant 48 : index
        %swap3A_458 = tpu.vector_load %arg17[%swap3A_457] {strides = array<i32>} : memref<64xi32, #tpu.memory_space<vmem>>, vector<16xi32>,
        %swap3A_459 = vector.shape_cast %swap3A_458 : vector<16xi32> to vector<16xi32>
        %swap3A_460 = vector.shape_cast %select_n3A_456 : vector<16xi32> to vector<16xi32>
        tpu.vector_store %arg17[%swap3A_457], %swap3A_460 {strides = array<i32>} : memref<64xi32, #tpu.memory_space<vmem>>, vector<16xi32>,
        %shift_right_logical3A_461 = arith.constant 7 : i32
        %shift_right_logical3A_462 = vector.broadcast %shift_right_logical3A_461 : i32 to vector<16xi32>
        %shift_right_logical3A_463 = arith.shrui %get3A_451, %shift_right_logical3A_462 : vector<16xi32>
        %jit3A_464 = arith.constant 79 : i32
        %broadcast_in_dim3A_465 = vector.broadcast %jit3A_464 : i32 to vector<16xi32>
        %select_n3A_466 = arith.select %eq3A_453, %shift_right_logical3A_463, %broadcast_in_dim3A_465 : vector<16xi1>, vector<16xi32>
        %swap3A_467 = arith.constant 48 : index
        %swap3A_468 = tpu.vector_load %arg18[%swap3A_467] {strides = array<i32>} : memref<64xi32, #tpu.memory_space<vmem>>, vector<16xi32>,
        %swap3A_469 = vector.shape_cast %swap3A_468 : vector<16xi32> to vector<16xi32>
        %swap3A_470 = vector.shape_cast %select_n3A_466 : vector<16xi32> to vector<16xi32>
        tpu.vector_store %arg18[%swap3A_467], %swap3A_470 {strides = array<i32>} : memref<64xi32, #tpu.memory_space<vmem>>, vector<16xi32>,
        %and3A_471 = arith.constant 127 : i32
        %and3A_472 = vector.broadcast %and3A_471 : i32 to vector<16xi32>
        %and3A_473 = arith.andi %get3A_451, %and3A_472 : vector<16xi32>
        %swap3A_474 = arith.constant 48 : index
        %swap3A_475 = tpu.vector_load %arg19[%swap3A_474] {strides = array<i32>} : memref<64xi32, #tpu.memory_space<vmem>>, vector<16xi32>,
        %swap3A_476 = vector.shape_cast %swap3A_475 : vector<16xi32> to vector<16xi32>
        %swap3A_477 = vector.shape_cast %and3A_473 : vector<16xi32> to vector<16xi32>
        tpu.vector_store %arg19[%swap3A_474], %swap3A_477 {strides = array<i32>} : memref<64xi32, #tpu.memory_space<vmem>>, vector<16xi32>,
        %dma_start3A_478 = arith.constant 0 : i32
        %dma_start3A_479 = arith.constant 0 : i32
        %dma_start3A_480 = tpu.memref_slice %arg13[%dma_start3A_478, %dma_start3A_479] : memref<128x128xf32, #tpu.memory_space<vmem_shared>> -> memref<128x128xf32, #tpu.memory_space<vmem_shared>>
        tpu.enqueue_indirect_dma source(%dma_start3A_480 : memref<128x128xf32, #tpu.memory_space<vmem_shared>>) target(%arg24 : memref<64x128xf32, #tpu.memory_space<vmem>>) offsets(%arg19 : memref<64xi32, #tpu.memory_space<vmem>>) semaphore(%arg28 : memref<!tpu.dma_semaphore, #tpu.memory_space<semaphore_mem>>)
        "tpu.region"() ({
          %run_scoped3A = tpu.sem_alloc : memref<!tpu.dma_semaphore, #tpu.memory_space<semaphore_mem>>
          %dma_start3A_485 = arith.constant 0 : i32
          %dma_start3A_486 = arith.constant 0 : i32
          %dma_start3A_487 = tpu.memref_slice %arg11[%dma_start3A_485, %dma_start3A_486] : memref<10240x128xf32, #tpu.memory_space<vmem_shared>> -> memref<10240x128xf32, #tpu.memory_space<vmem_shared>>
          tpu.enqueue_indirect_dma source(%arg23 : memref<64x128xf32, #tpu.memory_space<vmem>>) target(%dma_start3A_487 : memref<10240x128xf32, #tpu.memory_space<vmem_shared>>) offsets(%arg17 : memref<64xi32, #tpu.memory_space<vmem>>) semaphore(%run_scoped3A : memref<!tpu.dma_semaphore, #tpu.memory_space<semaphore_mem>>) {add = true}
          %dma_wait3A_488 = arith.constant 0 : i32
          %dma_wait3A_489 = arith.constant 0 : i32
          %dma_wait3A_490 = tpu.memref_slice %arg11[%dma_wait3A_488, %dma_wait3A_489] : memref<10240x128xf32, #tpu.memory_space<vmem_shared>> -> memref<10240x128xf32, #tpu.memory_space<vmem_shared>>
          tpu.wait_indirect_dma semaphore(%run_scoped3A : memref<!tpu.dma_semaphore, #tpu.memory_space<semaphore_mem>>) src(%arg23 : memref<64x128xf32, #tpu.memory_space<vmem>>) dst(%dma_wait3A_490 : memref<10240x128xf32, #tpu.memory_space<vmem_shared>>)
          tpu.yield
        }) : () -> ()
        %dma_wait3A_481 = arith.constant 0 : i32
        %dma_wait3A_482 = arith.constant 0 : i32
        %dma_wait3A_483 = tpu.memref_slice %arg13[%dma_wait3A_481, %dma_wait3A_482] : memref<128x128xf32, #tpu.memory_space<vmem_shared>> -> memref<128x128xf32, #tpu.memory_space<vmem_shared>>
        tpu.wait_indirect_dma semaphore(%arg28 : memref<!tpu.dma_semaphore, #tpu.memory_space<semaphore_mem>>) src(%dma_wait3A_483 : memref<128x128xf32, #tpu.memory_space<vmem_shared>>) dst(%arg24 : memref<64x128xf32, #tpu.memory_space<vmem>>)
        "tpu.region"() ({
          %run_scoped3A = tpu.sem_alloc : memref<!tpu.dma_semaphore, #tpu.memory_space<semaphore_mem>>
          %dma_start3A_485 = arith.constant 0 : i32
          %dma_start3A_486 = arith.constant 0 : i32
          %dma_start3A_487 = tpu.memref_slice %arg12[%dma_start3A_485, %dma_start3A_486] : memref<80x128xf32, #tpu.memory_space<vmem_shared>> -> memref<80x128xf32, #tpu.memory_space<vmem_shared>>
          tpu.enqueue_indirect_dma source(%arg24 : memref<64x128xf32, #tpu.memory_space<vmem>>) target(%dma_start3A_487 : memref<80x128xf32, #tpu.memory_space<vmem_shared>>) offsets(%arg18 : memref<64xi32, #tpu.memory_space<vmem>>) semaphore(%run_scoped3A : memref<!tpu.dma_semaphore, #tpu.memory_space<semaphore_mem>>) {add = true}
          %dma_wait3A_488 = arith.constant 0 : i32
          %dma_wait3A_489 = arith.constant 0 : i32
          %dma_wait3A_490 = tpu.memref_slice %arg12[%dma_wait3A_488, %dma_wait3A_489] : memref<80x128xf32, #tpu.memory_space<vmem_shared>> -> memref<80x128xf32, #tpu.memory_space<vmem_shared>>
          tpu.wait_indirect_dma semaphore(%run_scoped3A : memref<!tpu.dma_semaphore, #tpu.memory_space<semaphore_mem>>) src(%arg24 : memref<64x128xf32, #tpu.memory_space<vmem>>) dst(%dma_wait3A_490 : memref<80x128xf32, #tpu.memory_space<vmem_shared>>)
          tpu.yield
        }) : () -> ()
        %scan3A_484 = arith.constant 0 : i32
        scf.yield %scan3A_484 : i32
      }
      %scan3A_74 = arith.constant 16 : i32
      %dma_wait3A = arith.constant 0 : i32
      %dma_wait3A_75 = arith.constant 0 : i32
      %dma_wait3A_76 = tpu.memref_slice %arg2[%dma_wait3A, %dma_wait3A_75] : memref<10000x128xf32, #tpu.memory_space<hbm>> -> memref<10000x128xf32, #tpu.memory_space<hbm>>
      tpu.wait_indirect_dma semaphore(%arg26 : memref<!tpu.dma_semaphore, #tpu.memory_space<semaphore_mem>>) src(%dma_wait3A_76 : memref<10000x128xf32, #tpu.memory_space<hbm>>) dst(%arg22 : memref<64x128xf32, #tpu.memory_space<vmem>>)
      %scan3A_77 = arith.constant 0 : i32
      scf.yield %scan3A_77 : i32
    }
    %scan3A_25 = arith.constant 10 : i32
    %barrier3A_26 = arith.constant 0 : index
    tpu.barrier barrier_id(%barrier3A_26)
    %scan3A_27 = arith.constant 0 : i32
    %scan3A_28 = arith.constant 0 : i32
    %scan3A_29 = arith.constant 4 : i32
    %scan3A_30 = arith.addi %scan3A_28, %scan3A_29 : i32
    %scan3A_31 = arith.constant 1 : i32
    %scan3A_32 = scf.for %scan3A_34 = %scan3A_28 to %scan3A_30 step %scan3A_31 iter_args(%scan3A_35 = %scan3A_27) -> (i32)  : i32 {
      %mul3A_36 = arith.constant 256 : i32
      %mul3A_37 = arith.muli %arg1, %mul3A_36 : i32
      %mul3A_38 = arith.constant 64 : i32
      %mul3A_39 = arith.muli %scan3A_34, %mul3A_38 : i32
      %add3A = arith.addi %mul3A_37, %mul3A_39 : i32
      "tpu.region"() ({
        %run_scoped3A = tpu.sem_alloc : memref<!tpu.dma_semaphore, #tpu.memory_space<semaphore_mem>>
        %dma_start3A_104 = tpu.memref_slice %arg6[%add3A] : memref<4096xi32, #tpu.memory_space<hbm>> -> memref<64xi32, #tpu.memory_space<hbm>>
        %dma_start3A_105 = tpu.memref_slice %arg6[%add3A] : memref<4096xi32, #tpu.memory_space<hbm>> -> memref<64xi32, #tpu.memory_space<hbm>>
        tpu.enqueue_dma source(%dma_start3A_105 : memref<64xi32, #tpu.memory_space<hbm>>) target(%arg25 : memref<64xi32, #tpu.memory_space<vmem>>) target_semaphore(%run_scoped3A : memref<!tpu.dma_semaphore, #tpu.memory_space<semaphore_mem>>)
        %dma_wait3A_106 = tpu.memref_slice %arg6[%add3A] : memref<4096xi32, #tpu.memory_space<hbm>> -> memref<64xi32, #tpu.memory_space<hbm>>
        %dma_wait3A_107 = tpu.memref_slice %arg6[%add3A] : memref<4096xi32, #tpu.memory_space<hbm>> -> memref<64xi32, #tpu.memory_space<hbm>>
        tpu.wait_dma2 semaphore(%run_scoped3A : memref<!tpu.dma_semaphore, #tpu.memory_space<semaphore_mem>>) src(%dma_wait3A_107 : memref<64xi32, #tpu.memory_space<hbm>>) dst(%arg25 : memref<64xi32, #tpu.memory_space<vmem>>)
        tpu.yield
      }) : () -> ()
      %get3A = arith.constant 0 : index
      %get3A_40 = tpu.vector_load %arg25[%get3A] {strides = array<i32>} : memref<64xi32, #tpu.memory_space<vmem>>, vector<16xi32>,
      %get3A_41 = vector.shape_cast %get3A_40 : vector<16xi32> to vector<16xi32>
      %shift_right_logical3A = arith.constant 7 : i32
      %shift_right_logical3A_42 = vector.broadcast %shift_right_logical3A : i32 to vector<16xi32>
      %shift_right_logical3A_43 = arith.shrui %get3A_41, %shift_right_logical3A_42 : vector<16xi32>
      %swap3A = arith.constant 0 : index
      %swap3A_44 = tpu.vector_load %arg18[%swap3A] {strides = array<i32>} : memref<64xi32, #tpu.memory_space<vmem>>, vector<16xi32>,
      %swap3A_45 = vector.shape_cast %swap3A_44 : vector<16xi32> to vector<16xi32>
      %swap3A_46 = vector.shape_cast %shift_right_logical3A_43 : vector<16xi32> to vector<16xi32>
      tpu.vector_store %arg18[%swap3A], %swap3A_46 {strides = array<i32>} : memref<64xi32, #tpu.memory_space<vmem>>, vector<16xi32>,
      %get3A_47 = arith.constant 16 : index
      %get3A_48 = tpu.vector_load %arg25[%get3A_47] {strides = array<i32>} : memref<64xi32, #tpu.memory_space<vmem>>, vector<16xi32>,
      %get3A_49 = vector.shape_cast %get3A_48 : vector<16xi32> to vector<16xi32>
      %shift_right_logical3A_50 = arith.constant 7 : i32
      %shift_right_logical3A_51 = vector.broadcast %shift_right_logical3A_50 : i32 to vector<16xi32>
      %shift_right_logical3A_52 = arith.shrui %get3A_49, %shift_right_logical3A_51 : vector<16xi32>
      %swap3A_53 = arith.constant 16 : index
      %swap3A_54 = tpu.vector_load %arg18[%swap3A_53] {strides = array<i32>} : memref<64xi32, #tpu.memory_space<vmem>>, vector<16xi32>,
      %swap3A_55 = vector.shape_cast %swap3A_54 : vector<16xi32> to vector<16xi32>
      %swap3A_56 = vector.shape_cast %shift_right_logical3A_52 : vector<16xi32> to vector<16xi32>
      tpu.vector_store %arg18[%swap3A_53], %swap3A_56 {strides = array<i32>} : memref<64xi32, #tpu.memory_space<vmem>>, vector<16xi32>,
      %get3A_57 = arith.constant 32 : index
      %get3A_58 = tpu.vector_load %arg25[%get3A_57] {strides = array<i32>} : memref<64xi32, #tpu.memory_space<vmem>>, vector<16xi32>,
      %get3A_59 = vector.shape_cast %get3A_58 : vector<16xi32> to vector<16xi32>
      %shift_right_logical3A_60 = arith.constant 7 : i32
      %shift_right_logical3A_61 = vector.broadcast %shift_right_logical3A_60 : i32 to vector<16xi32>
      %shift_right_logical3A_62 = arith.shrui %get3A_59, %shift_right_logical3A_61 : vector<16xi32>
      %swap3A_63 = arith.constant 32 : index
      %swap3A_64 = tpu.vector_load %arg18[%swap3A_63] {strides = array<i32>} : memref<64xi32, #tpu.memory_space<vmem>>, vector<16xi32>,
      %swap3A_65 = vector.shape_cast %swap3A_64 : vector<16xi32> to vector<16xi32>
      %swap3A_66 = vector.shape_cast %shift_right_logical3A_62 : vector<16xi32> to vector<16xi32>
      tpu.vector_store %arg18[%swap3A_63], %swap3A_66 {strides = array<i32>} : memref<64xi32, #tpu.memory_space<vmem>>, vector<16xi32>,
      %get3A_67 = arith.constant 48 : index
      %get3A_68 = tpu.vector_load %arg25[%get3A_67] {strides = array<i32>} : memref<64xi32, #tpu.memory_space<vmem>>, vector<16xi32>,
      %get3A_69 = vector.shape_cast %get3A_68 : vector<16xi32> to vector<16xi32>
      %shift_right_logical3A_70 = arith.constant 7 : i32
      %shift_right_logical3A_71 = vector.broadcast %shift_right_logical3A_70 : i32 to vector<16xi32>
      %shift_right_logical3A_72 = arith.shrui %get3A_69, %shift_right_logical3A_71 : vector<16xi32>
      %swap3A_73 = arith.constant 48 : index
      %swap3A_74 = tpu.vector_load %arg18[%swap3A_73] {strides = array<i32>} : memref<64xi32, #tpu.memory_space<vmem>>, vector<16xi32>,
      %swap3A_75 = vector.shape_cast %swap3A_74 : vector<16xi32> to vector<16xi32>
      %swap3A_76 = vector.shape_cast %shift_right_logical3A_72 : vector<16xi32> to vector<16xi32>
      tpu.vector_store %arg18[%swap3A_73], %swap3A_76 {strides = array<i32>} : memref<64xi32, #tpu.memory_space<vmem>>, vector<16xi32>,
      %dma_start3A = arith.constant 0 : i32
      %dma_start3A_77 = arith.constant 0 : i32
      %dma_start3A_78 = tpu.memref_slice %arg11[%dma_start3A, %dma_start3A_77] : memref<10240x128xf32, #tpu.memory_space<vmem_shared>> -> memref<10240x128xf32, #tpu.memory_space<vmem_shared>>
      tpu.enqueue_indirect_dma source(%dma_start3A_78 : memref<10240x128xf32, #tpu.memory_space<vmem_shared>>) target(%arg22 : memref<64x128xf32, #tpu.memory_space<vmem>>) offsets(%arg25 : memref<64xi32, #tpu.memory_space<vmem>>) semaphore(%arg26 : memref<!tpu.dma_semaphore, #tpu.memory_space<semaphore_mem>>)
      %dma_start3A_79 = arith.constant 0 : i32
      %dma_start3A_80 = arith.constant 0 : i32
      %dma_start3A_81 = tpu.memref_slice %arg12[%dma_start3A_79, %dma_start3A_80] : memref<80x128xf32, #tpu.memory_space<vmem_shared>> -> memref<80x128xf32, #tpu.memory_space<vmem_shared>>
      tpu.enqueue_indirect_dma source(%dma_start3A_81 : memref<80x128xf32, #tpu.memory_space<vmem_shared>>) target(%arg24 : memref<64x128xf32, #tpu.memory_space<vmem>>) offsets(%arg18 : memref<64xi32, #tpu.memory_space<vmem>>) semaphore(%arg28 : memref<!tpu.dma_semaphore, #tpu.memory_space<semaphore_mem>>)
      %dma_wait3A = arith.constant 0 : i32
      %dma_wait3A_82 = arith.constant 0 : i32
      %dma_wait3A_83 = tpu.memref_slice %arg11[%dma_wait3A, %dma_wait3A_82] : memref<10240x128xf32, #tpu.memory_space<vmem_shared>> -> memref<10240x128xf32, #tpu.memory_space<vmem_shared>>
      tpu.wait_indirect_dma semaphore(%arg26 : memref<!tpu.dma_semaphore, #tpu.memory_space<semaphore_mem>>) src(%dma_wait3A_83 : memref<10240x128xf32, #tpu.memory_space<vmem_shared>>) dst(%arg22 : memref<64x128xf32, #tpu.memory_space<vmem>>)
      %dma_wait3A_84 = arith.constant 0 : i32
      %dma_wait3A_85 = arith.constant 0 : i32
      %dma_wait3A_86 = tpu.memref_slice %arg12[%dma_wait3A_84, %dma_wait3A_85] : memref<80x128xf32, #tpu.memory_space<vmem_shared>> -> memref<80x128xf32, #tpu.memory_space<vmem_shared>>
      tpu.wait_indirect_dma semaphore(%arg28 : memref<!tpu.dma_semaphore, #tpu.memory_space<semaphore_mem>>) src(%dma_wait3A_86 : memref<80x128xf32, #tpu.memory_space<vmem_shared>>) dst(%arg24 : memref<64x128xf32, #tpu.memory_space<vmem>>)
      %scan3A_87 = arith.constant 0 : i32
      %scan3A_88 = arith.constant 0 : i32
      %mul3A_89 = arith.constant 64 : i32
      %mul3A_90 = arith.muli %scan3A_88, %mul3A_89 : i32
      %mul3A_91 = arith.constant 64 : i32
      %mul3A_92 = arith.muli %scan3A_88, %mul3A_91 : i32
      %add3A_93 = arith.addi %add3A, %mul3A_92 : i32
      "tpu.region"() ({
        %run_scoped3A = tpu.sem_alloc : memref<!tpu.dma_semaphore, #tpu.memory_space<semaphore_mem>>
        %dma_start3A_104 = arith.constant 0 : i32
        %dma_start3A_105 = tpu.memref_slice %arg22[%mul3A_90, %dma_start3A_104] : memref<64x128xf32, #tpu.memory_space<vmem>> -> memref<64x128xf32, #tpu.memory_space<vmem>>
        %dma_start3A_106 = arith.constant 0 : i32
        %dma_start3A_107 = tpu.memref_slice %arg8[%arg0, %add3A_93, %dma_start3A_106] : memref<2x4096x128xf32, #tpu.memory_space<hbm>> -> memref<1x64x128xf32, #tpu.memory_space<hbm>>
        %dma_start3A_108 = tpu.memref_squeeze %dma_start3A_107 : memref<1x64x128xf32, #tpu.memory_space<hbm>> -> memref<64x128xf32, #tpu.memory_space<hbm>>
        %dma_start3A_109 = arith.constant 0 : i32
        %dma_start3A_110 = tpu.memref_slice %arg8[%arg0, %add3A_93, %dma_start3A_109] : memref<2x4096x128xf32, #tpu.memory_space<hbm>> -> memref<1x64x128xf32, #tpu.memory_space<hbm>>
        %dma_start3A_111 = tpu.memref_squeeze %dma_start3A_110 : memref<1x64x128xf32, #tpu.memory_space<hbm>> -> memref<64x128xf32, #tpu.memory_space<hbm>>
        %dma_start3A_112 = arith.constant 0 : i32
        %dma_start3A_113 = tpu.memref_slice %arg22[%mul3A_90, %dma_start3A_112] : memref<64x128xf32, #tpu.memory_space<vmem>> -> memref<64x128xf32, #tpu.memory_space<vmem>>
        tpu.enqueue_dma source(%dma_start3A_113 : memref<64x128xf32, #tpu.memory_space<vmem>>) target(%dma_start3A_111 : memref<64x128xf32, #tpu.memory_space<hbm>>) target_semaphore(%run_scoped3A : memref<!tpu.dma_semaphore, #tpu.memory_space<semaphore_mem>>)
        %dma_wait3A_114 = arith.constant 0 : i32
        %dma_wait3A_115 = tpu.memref_slice %arg22[%mul3A_90, %dma_wait3A_114] : memref<64x128xf32, #tpu.memory_space<vmem>> -> memref<64x128xf32, #tpu.memory_space<vmem>>
        %dma_wait3A_116 = arith.constant 0 : i32
        %dma_wait3A_117 = tpu.memref_slice %arg8[%arg0, %add3A_93, %dma_wait3A_116] : memref<2x4096x128xf32, #tpu.memory_space<hbm>> -> memref<1x64x128xf32, #tpu.memory_space<hbm>>
        %dma_wait3A_118 = tpu.memref_squeeze %dma_wait3A_117 : memref<1x64x128xf32, #tpu.memory_space<hbm>> -> memref<64x128xf32, #tpu.memory_space<hbm>>
        %dma_wait3A_119 = arith.constant 0 : i32
        %dma_wait3A_120 = tpu.memref_slice %arg8[%arg0, %add3A_93, %dma_wait3A_119] : memref<2x4096x128xf32, #tpu.memory_space<hbm>> -> memref<1x64x128xf32, #tpu.memory_space<hbm>>
        %dma_wait3A_121 = tpu.memref_squeeze %dma_wait3A_120 : memref<1x64x128xf32, #tpu.memory_space<hbm>> -> memref<64x128xf32, #tpu.memory_space<hbm>>
        %dma_wait3A_122 = arith.constant 0 : i32
        %dma_wait3A_123 = tpu.memref_slice %arg22[%mul3A_90, %dma_wait3A_122] : memref<64x128xf32, #tpu.memory_space<vmem>> -> memref<64x128xf32, #tpu.memory_space<vmem>>
        tpu.wait_dma2 semaphore(%run_scoped3A : memref<!tpu.dma_semaphore, #tpu.memory_space<semaphore_mem>>) src(%dma_wait3A_123 : memref<64x128xf32, #tpu.memory_space<vmem>>) dst(%dma_wait3A_121 : memref<64x128xf32, #tpu.memory_space<hbm>>)
        tpu.yield
      }) : () -> ()
      %mul3A_94 = arith.constant 64 : i32
      %mul3A_95 = arith.muli %scan3A_88, %mul3A_94 : i32
      %mul3A_96 = arith.constant 64 : i32
      %mul3A_97 = arith.muli %scan3A_88, %mul3A_96 : i32
      %add3A_98 = arith.addi %add3A, %mul3A_97 : i32
      "tpu.region"() ({
        %run_scoped3A = tpu.sem_alloc : memref<!tpu.dma_semaphore, #tpu.memory_space<semaphore_mem>>
        %dma_start3A_104 = arith.constant 0 : i32
        %dma_start3A_105 = tpu.memref_slice %arg24[%mul3A_95, %dma_start3A_104] : memref<64x128xf32, #tpu.memory_space<vmem>> -> memref<64x128xf32, #tpu.memory_space<vmem>>
        %dma_start3A_106 = arith.constant 0 : i32
        %dma_start3A_107 = tpu.memref_slice %arg10[%arg0, %add3A_98, %dma_start3A_106] : memref<2x4096x128xf32, #tpu.memory_space<hbm>> -> memref<1x64x128xf32, #tpu.memory_space<hbm>>
        %dma_start3A_108 = tpu.memref_squeeze %dma_start3A_107 : memref<1x64x128xf32, #tpu.memory_space<hbm>> -> memref<64x128xf32, #tpu.memory_space<hbm>>
        %dma_start3A_109 = arith.constant 0 : i32
        %dma_start3A_110 = tpu.memref_slice %arg10[%arg0, %add3A_98, %dma_start3A_109] : memref<2x4096x128xf32, #tpu.memory_space<hbm>> -> memref<1x64x128xf32, #tpu.memory_space<hbm>>
        %dma_start3A_111 = tpu.memref_squeeze %dma_start3A_110 : memref<1x64x128xf32, #tpu.memory_space<hbm>> -> memref<64x128xf32, #tpu.memory_space<hbm>>
        %dma_start3A_112 = arith.constant 0 : i32
        %dma_start3A_113 = tpu.memref_slice %arg24[%mul3A_95, %dma_start3A_112] : memref<64x128xf32, #tpu.memory_space<vmem>> -> memref<64x128xf32, #tpu.memory_space<vmem>>
        tpu.enqueue_dma source(%dma_start3A_113 : memref<64x128xf32, #tpu.memory_space<vmem>>) target(%dma_start3A_111 : memref<64x128xf32, #tpu.memory_space<hbm>>) target_semaphore(%run_scoped3A : memref<!tpu.dma_semaphore, #tpu.memory_space<semaphore_mem>>)
        %dma_wait3A_114 = arith.constant 0 : i32
        %dma_wait3A_115 = tpu.memref_slice %arg24[%mul3A_95, %dma_wait3A_114] : memref<64x128xf32, #tpu.memory_space<vmem>> -> memref<64x128xf32, #tpu.memory_space<vmem>>
        %dma_wait3A_116 = arith.constant 0 : i32
        %dma_wait3A_117 = tpu.memref_slice %arg10[%arg0, %add3A_98, %dma_wait3A_116] : memref<2x4096x128xf32, #tpu.memory_space<hbm>> -> memref<1x64x128xf32, #tpu.memory_space<hbm>>
        %dma_wait3A_118 = tpu.memref_squeeze %dma_wait3A_117 : memref<1x64x128xf32, #tpu.memory_space<hbm>> -> memref<64x128xf32, #tpu.memory_space<hbm>>
        %dma_wait3A_119 = arith.constant 0 : i32
        %dma_wait3A_120 = tpu.memref_slice %arg10[%arg0, %add3A_98, %dma_wait3A_119] : memref<2x4096x128xf32, #tpu.memory_space<hbm>> -> memref<1x64x128xf32, #tpu.memory_space<hbm>>
        %dma_wait3A_121 = tpu.memref_squeeze %dma_wait3A_120 : memref<1x64x128xf32, #tpu.memory_space<hbm>> -> memref<64x128xf32, #tpu.memory_space<hbm>>
        %dma_wait3A_122 = arith.constant 0 : i32
        %dma_wait3A_123 = tpu.memref_slice %arg24[%mul3A_95, %dma_wait3A_122] : memref<64x128xf32, #tpu.memory_space<vmem>> -> memref<64x128xf32, #tpu.memory_space<vmem>>
        tpu.wait_dma2 semaphore(%run_scoped3A : memref<!tpu.dma_semaphore, #tpu.memory_space<semaphore_mem>>) src(%dma_wait3A_123 : memref<64x128xf32, #tpu.memory_space<vmem>>) dst(%dma_wait3A_121 : memref<64x128xf32, #tpu.memory_space<hbm>>)
        tpu.yield
      }) : () -> ()
      %scan3A_99 = arith.constant 0 : i32
      %scan3A_100 = arith.constant 1 : i32
      %eq3A = arith.constant 0 : i32
      %eq3A_101 = arith.cmpi eq, %arg0, %eq3A : i32
      %convert_element_type3A = arith.extui %eq3A_101 : i1 to i32
      %cond3A = arith.constant 0 : i32
      %cond3A_102 = arith.cmpi ne, %convert_element_type3A, %cond3A : i32
      scf.if %cond3A_102 {
        %dma_start3A_104 = arith.constant 0 : i32
        %dma_start3A_105 = arith.constant 0 : i32
        %dma_start3A_106 = tpu.memref_slice %arg2[%dma_start3A_104, %dma_start3A_105] : memref<10000x128xf32, #tpu.memory_space<hbm>> -> memref<10000x128xf32, #tpu.memory_space<hbm>>
        tpu.enqueue_indirect_dma source(%dma_start3A_106 : memref<10000x128xf32, #tpu.memory_space<hbm>>) target(%arg23 : memref<64x128xf32, #tpu.memory_space<vmem>>) offsets(%arg25 : memref<64xi32, #tpu.memory_space<vmem>>) semaphore(%arg27 : memref<!tpu.dma_semaphore, #tpu.memory_space<semaphore_mem>>)
        %dma_wait3A_107 = arith.constant 0 : i32
        %dma_wait3A_108 = arith.constant 0 : i32
        %dma_wait3A_109 = tpu.memref_slice %arg2[%dma_wait3A_107, %dma_wait3A_108] : memref<10000x128xf32, #tpu.memory_space<hbm>> -> memref<10000x128xf32, #tpu.memory_space<hbm>>
        tpu.wait_indirect_dma semaphore(%arg27 : memref<!tpu.dma_semaphore, #tpu.memory_space<semaphore_mem>>) src(%dma_wait3A_109 : memref<10000x128xf32, #tpu.memory_space<hbm>>) dst(%arg23 : memref<64x128xf32, #tpu.memory_space<vmem>>)
        %scan3A_110 = arith.constant 0 : i32
        %scan3A_111 = arith.constant 0 : i32
        %mul3A_112 = arith.constant 64 : i32
        %mul3A_113 = arith.muli %scan3A_111, %mul3A_112 : i32
        %mul3A_114 = arith.constant 64 : i32
        %mul3A_115 = arith.muli %scan3A_111, %mul3A_114 : i32
        %add3A_116 = arith.addi %add3A, %mul3A_115 : i32
        "tpu.region"() ({
          %run_scoped3A = tpu.sem_alloc : memref<!tpu.dma_semaphore, #tpu.memory_space<semaphore_mem>>
          %dma_start3A_119 = arith.constant 0 : i32
          %dma_start3A_120 = tpu.memref_slice %arg23[%mul3A_113, %dma_start3A_119] : memref<64x128xf32, #tpu.memory_space<vmem>> -> memref<64x128xf32, #tpu.memory_space<vmem>>
          %dma_start3A_121 = arith.constant 0 : i32
          %dma_start3A_122 = tpu.memref_slice %arg9[%add3A_116, %dma_start3A_121] : memref<4096x128xf32, #tpu.memory_space<hbm>> -> memref<64x128xf32, #tpu.memory_space<hbm>>
          %dma_start3A_123 = arith.constant 0 : i32
          %dma_start3A_124 = tpu.memref_slice %arg9[%add3A_116, %dma_start3A_123] : memref<4096x128xf32, #tpu.memory_space<hbm>> -> memref<64x128xf32, #tpu.memory_space<hbm>>
          %dma_start3A_125 = arith.constant 0 : i32
          %dma_start3A_126 = tpu.memref_slice %arg23[%mul3A_113, %dma_start3A_125] : memref<64x128xf32, #tpu.memory_space<vmem>> -> memref<64x128xf32, #tpu.memory_space<vmem>>
          tpu.enqueue_dma source(%dma_start3A_126 : memref<64x128xf32, #tpu.memory_space<vmem>>) target(%dma_start3A_124 : memref<64x128xf32, #tpu.memory_space<hbm>>) target_semaphore(%run_scoped3A : memref<!tpu.dma_semaphore, #tpu.memory_space<semaphore_mem>>)
          %dma_wait3A_127 = arith.constant 0 : i32
          %dma_wait3A_128 = tpu.memref_slice %arg23[%mul3A_113, %dma_wait3A_127] : memref<64x128xf32, #tpu.memory_space<vmem>> -> memref<64x128xf32, #tpu.memory_space<vmem>>
          %dma_wait3A_129 = arith.constant 0 : i32
          %dma_wait3A_130 = tpu.memref_slice %arg9[%add3A_116, %dma_wait3A_129] : memref<4096x128xf32, #tpu.memory_space<hbm>> -> memref<64x128xf32, #tpu.memory_space<hbm>>
          %dma_wait3A_131 = arith.constant 0 : i32
          %dma_wait3A_132 = tpu.memref_slice %arg9[%add3A_116, %dma_wait3A_131] : memref<4096x128xf32, #tpu.memory_space<hbm>> -> memref<64x128xf32, #tpu.memory_space<hbm>>
          %dma_wait3A_133 = arith.constant 0 : i32
          %dma_wait3A_134 = tpu.memref_slice %arg23[%mul3A_113, %dma_wait3A_133] : memref<64x128xf32, #tpu.memory_space<vmem>> -> memref<64x128xf32, #tpu.memory_space<vmem>>
          tpu.wait_dma2 semaphore(%run_scoped3A : memref<!tpu.dma_semaphore, #tpu.memory_space<semaphore_mem>>) src(%dma_wait3A_134 : memref<64x128xf32, #tpu.memory_space<vmem>>) dst(%dma_wait3A_132 : memref<64x128xf32, #tpu.memory_space<hbm>>)
          tpu.yield
        }) : () -> ()
        %scan3A_117 = arith.constant 0 : i32
        %scan3A_118 = arith.constant 1 : i32
      } else {
      }
      %scan3A_103 = arith.constant 0 : i32
      scf.yield %scan3A_103 : i32
    }
    %scan3A_33 = arith.constant 4 : i32
    return
  }
}

module attributes {stable_mosaic.version = 14 : i64} {
  func.func @_tc_dense_body(%arg0: memref<4096x128xf32, #tpu.memory_space<vmem>>, %arg1: memref<2x4096x128xf32, #tpu.memory_space<vmem>>, %arg2: memref<2x4096x128xf32, #tpu.memory_space<vmem>>, %arg3: memref<4096x1xi32, #tpu.memory_space<vmem>>, %arg4: memref<2x128x128xf32, #tpu.memory_space<vmem>>, %arg5: memref<1x4xf32, #tpu.memory_space<vmem>>, %arg6: memref<128x128xf32, #tpu.memory_space<vmem>>, %arg7: memref<1x128xf32, #tpu.memory_space<vmem>>, %arg8: memref<128x128xf32, #tpu.memory_space<vmem>>, %arg9: memref<1x128xf32, #tpu.memory_space<vmem>>, %arg10: memref<1x128xf32, #tpu.memory_space<vmem>>, %arg11: memref<1x128xf32, #tpu.memory_space<vmem>>, %arg12: memref<128x128xf32, #tpu.memory_space<vmem>>, %arg13: memref<1x128xf32, #tpu.memory_space<vmem>>, %arg14: memref<1x128xf32, #tpu.memory_space<vmem>>, %arg15: memref<1x128xf32, #tpu.memory_space<vmem>>, %arg16: memref<128x64xf32, #tpu.memory_space<vmem>>, %arg17: memref<1x64xf32, #tpu.memory_space<vmem>>, %arg18: memref<1x64xf32, #tpu.memory_space<vmem>>, %arg19: memref<1x64xf32, #tpu.memory_space<vmem>>, %arg20: memref<64x64xf32, #tpu.memory_space<vmem>>, %arg21: memref<1x64xf32, #tpu.memory_space<vmem>>, %arg22: memref<64x32xf32, #tpu.memory_space<vmem>>, %arg23: memref<1x32xf32, #tpu.memory_space<vmem>>, %arg24: memref<1x32xf32, #tpu.memory_space<vmem>>, %arg25: memref<1x32xf32, #tpu.memory_space<vmem>>, %arg26: memref<32x1xf32, #tpu.memory_space<vmem>>, %arg27: memref<1x1xf32, #tpu.memory_space<vmem>>, %arg28: memref<4096x64xf32, #tpu.memory_space<vmem>>, %arg29: memref<4096x1xf32, #tpu.memory_space<vmem>>) attributes {dimension_semantics = [], scalar_prefetch = 0 : i64, scratch_operands = 0 : i64, tpu.core_type = #tpu.core_type<tc>} {
    %get3A = arith.constant 0 : index
    %get3A_0 = arith.constant 0 : index
    %get3A_1 = vector.load %arg5[%get3A, %get3A_0] : memref<1x4xf32, #tpu.memory_space<vmem>>, vector<1x4xf32>
    %get3A_2 = arith.constant 0 : index
    %get3A_3 = arith.constant 0 : index
    %get3A_4 = arith.constant 0 : index
    %get3A_5 = vector.load %arg4[%get3A_2, %get3A_3, %get3A_4] : memref<2x128x128xf32, #tpu.memory_space<vmem>>, vector<1x128x128xf32>
    %get3A_6 = vector.shape_cast %get3A_5 : vector<1x128x128xf32> to vector<128x128xf32>
    %get3A_7 = arith.constant 1 : index
    %get3A_8 = arith.constant 0 : index
    %get3A_9 = arith.constant 0 : index
    %get3A_10 = vector.load %arg4[%get3A_7, %get3A_8, %get3A_9] : memref<2x128x128xf32, #tpu.memory_space<vmem>>, vector<1x128x128xf32>
    %get3A_11 = vector.shape_cast %get3A_10 : vector<1x128x128xf32> to vector<128x128xf32>
    %slice3A = vector.extract_strided_slice %get3A_1 {offsets = [0, 0], sizes = [1, 1], strides = [1, 1]} : vector<1x4xf32> to vector<1x1xf32>
    %mul3A = vector.broadcast %slice3A : vector<1x1xf32> to vector<128x128xf32>
    %mul3A_12 = arith.mulf %mul3A, %get3A_6 : vector<128x128xf32>
    %slice3A_13 = vector.extract_strided_slice %get3A_1 {offsets = [0, 1], sizes = [1, 1], strides = [1, 1]} : vector<1x4xf32> to vector<1x1xf32>
    %mul3A_14 = vector.broadcast %slice3A_13 : vector<1x1xf32> to vector<128x128xf32>
    %mul3A_15 = arith.mulf %mul3A_14, %get3A_11 : vector<128x128xf32>
    %add3A = arith.addf %mul3A_12, %mul3A_15 : vector<128x128xf32>
    %slice3A_16 = vector.extract_strided_slice %get3A_1 {offsets = [0, 2], sizes = [1, 1], strides = [1, 1]} : vector<1x4xf32> to vector<1x1xf32>
    %mul3A_17 = vector.broadcast %slice3A_16 : vector<1x1xf32> to vector<128x128xf32>
    %mul3A_18 = arith.mulf %mul3A_17, %get3A_6 : vector<128x128xf32>
    %slice3A_19 = vector.extract_strided_slice %get3A_1 {offsets = [0, 3], sizes = [1, 1], strides = [1, 1]} : vector<1x4xf32> to vector<1x1xf32>
    %mul3A_20 = vector.broadcast %slice3A_19 : vector<1x1xf32> to vector<128x128xf32>
    %mul3A_21 = arith.mulf %mul3A_20, %get3A_11 : vector<128x128xf32>
    %add3A_22 = arith.addf %mul3A_18, %mul3A_21 : vector<128x128xf32>
    %get3A_23 = arith.constant 0 : index
    %get3A_24 = arith.constant 0 : index
    %get3A_25 = vector.load %arg3[%get3A_23, %get3A_24] : memref<4096x1xi32, #tpu.memory_space<vmem>>, vector<4096x1xi32>
    %and3A = arith.constant 127 : i32
    %and3A_26 = vector.broadcast %and3A : i32 to vector<4096x1xi32>
    %and3A_27 = arith.andi %get3A_25, %and3A_26 : vector<4096x1xi32>
    %iota3A = tpu.iota {dimensions = array<i32: 1>} : vector<4096x128xi32>
    %eq3A = vector.broadcast %and3A_27 : vector<4096x1xi32> to vector<4096x128xi32>
    %eq3A_28 = arith.cmpi eq, %iota3A, %eq3A : vector<4096x128xi32>
    %get3A_29 = arith.constant 0 : index
    %get3A_30 = arith.constant 0 : index
    %get3A_31 = arith.constant 0 : index
    %get3A_32 = vector.load %arg2[%get3A_29, %get3A_30, %get3A_31] : memref<2x4096x128xf32, #tpu.memory_space<vmem>>, vector<1x4096x128xf32>
    %get3A_33 = vector.shape_cast %get3A_32 : vector<1x4096x128xf32> to vector<4096x128xf32>
    %jit3A = arith.constant 0.000000e+00 : f32
    %broadcast_in_dim3A = vector.broadcast %jit3A : f32 to vector<4096x128xf32>
    %select_n3A = arith.select %eq3A_28, %get3A_33, %broadcast_in_dim3A : vector<4096x128xi1>, vector<4096x128xf32>
    %reduce_sum3A = arith.constant dense<0.000000e+00> : vector<4096xf32>
    %reduce_sum3A_34 = vector.multi_reduction <add>, %select_n3A, %reduce_sum3A [1] : vector<4096x128xf32> to vector<4096xf32>
    %broadcast_in_dim3A_35 = vector.shape_cast %reduce_sum3A_34 : vector<4096xf32> to vector<4096x1xf32>
    %get3A_36 = arith.constant 1 : index
    %get3A_37 = arith.constant 0 : index
    %get3A_38 = arith.constant 0 : index
    %get3A_39 = vector.load %arg2[%get3A_36, %get3A_37, %get3A_38] : memref<2x4096x128xf32, #tpu.memory_space<vmem>>, vector<1x4096x128xf32>
    %get3A_40 = vector.shape_cast %get3A_39 : vector<1x4096x128xf32> to vector<4096x128xf32>
    %jit3A_41 = arith.constant 0.000000e+00 : f32
    %broadcast_in_dim3A_42 = vector.broadcast %jit3A_41 : f32 to vector<4096x128xf32>
    %select_n3A_43 = arith.select %eq3A_28, %get3A_40, %broadcast_in_dim3A_42 : vector<4096x128xi1>, vector<4096x128xf32>
    %reduce_sum3A_44 = arith.constant dense<0.000000e+00> : vector<4096xf32>
    %reduce_sum3A_45 = vector.multi_reduction <add>, %select_n3A_43, %reduce_sum3A_44 [1] : vector<4096x128xf32> to vector<4096xf32>
    %broadcast_in_dim3A_46 = vector.shape_cast %reduce_sum3A_45 : vector<4096xf32> to vector<4096x1xf32>
    %max3A = arith.constant 1.000000e+00 : f32
    %max3A_47 = vector.broadcast %max3A : f32 to vector<4096x1xf32>
    %max3A_48 = arith.maximumf %broadcast_in_dim3A_35, %max3A_47 : vector<4096x1xf32>
    %max3A_49 = arith.constant 1.000000e+00 : f32
    %max3A_50 = vector.broadcast %max3A_49 : f32 to vector<4096x1xf32>
    %max3A_51 = arith.maximumf %broadcast_in_dim3A_46, %max3A_50 : vector<4096x1xf32>
    %get3A_52 = arith.constant 0 : index
    %get3A_53 = arith.constant 0 : index
    %get3A_54 = vector.load %arg0[%get3A_52, %get3A_53] : memref<4096x128xf32, #tpu.memory_space<vmem>>, vector<4096x128xf32>
    %get3A_55 = arith.constant 0 : index
    %get3A_56 = arith.constant 0 : index
    %get3A_57 = vector.load %arg6[%get3A_55, %get3A_56] : memref<128x128xf32, #tpu.memory_space<vmem>>, vector<128x128xf32>
    %dot_general3A = arith.constant dense<0.000000e+00> : vector<4096x128xf32>
    %dot_general3A_58 = tpu.matmul %get3A_54, %get3A_57, %dot_general3A {dimension_numbers = #tpu.dot_dimension_numbers<[1], [0], [0], [1], [0, 0, 1, 1], [], []>, precision = #tpu.contract_precision<fp32>, transpose_lhs_hint = false} : vector<4096x128xf32>, vector<128x128xf32>, vector<4096x128xf32> -> vector<4096x128xf32>
    %get3A_59 = arith.constant 0 : index
    %get3A_60 = arith.constant 0 : index
    %get3A_61 = vector.load %arg7[%get3A_59, %get3A_60] : memref<1x128xf32, #tpu.memory_space<vmem>>, vector<1x128xf32>
    %add3A_62 = vector.broadcast %get3A_61 : vector<1x128xf32> to vector<4096x128xf32>
    %add3A_63 = arith.addf %dot_general3A_58, %add3A_62 : vector<4096x128xf32>
    %get3A_64 = arith.constant 0 : index
    %get3A_65 = arith.constant 0 : index
    %get3A_66 = arith.constant 0 : index
    %get3A_67 = vector.load %arg1[%get3A_64, %get3A_65, %get3A_66] : memref<2x4096x128xf32, #tpu.memory_space<vmem>>, vector<1x4096x128xf32>
    %get3A_68 = vector.shape_cast %get3A_67 : vector<1x4096x128xf32> to vector<4096x128xf32>
    %div3A = vector.broadcast %max3A_48 : vector<4096x1xf32> to vector<4096x128xf32>
    %div3A_69 = arith.divf %get3A_68, %div3A : vector<4096x128xf32>
    %dot_general3A_70 = arith.constant dense<0.000000e+00> : vector<4096x128xf32>
    %dot_general3A_71 = tpu.matmul %div3A_69, %add3A, %dot_general3A_70 {dimension_numbers = #tpu.dot_dimension_numbers<[1], [0], [0], [1], [0, 0, 1, 1], [], []>, precision = #tpu.contract_precision<fp32>, transpose_lhs_hint = false} : vector<4096x128xf32>, vector<128x128xf32>, vector<4096x128xf32> -> vector<4096x128xf32>
    %add3A_72 = arith.addf %add3A_63, %dot_general3A_71 : vector<4096x128xf32>
    %get3A_73 = arith.constant 1 : index
    %get3A_74 = arith.constant 0 : index
    %get3A_75 = arith.constant 0 : index
    %get3A_76 = vector.load %arg1[%get3A_73, %get3A_74, %get3A_75] : memref<2x4096x128xf32, #tpu.memory_space<vmem>>, vector<1x4096x128xf32>
    %get3A_77 = vector.shape_cast %get3A_76 : vector<1x4096x128xf32> to vector<4096x128xf32>
    %div3A_78 = vector.broadcast %max3A_51 : vector<4096x1xf32> to vector<4096x128xf32>
    %div3A_79 = arith.divf %get3A_77, %div3A_78 : vector<4096x128xf32>
    %dot_general3A_80 = arith.constant dense<0.000000e+00> : vector<4096x128xf32>
    %dot_general3A_81 = tpu.matmul %div3A_79, %add3A_22, %dot_general3A_80 {dimension_numbers = #tpu.dot_dimension_numbers<[1], [0], [0], [1], [0, 0, 1, 1], [], []>, precision = #tpu.contract_precision<fp32>, transpose_lhs_hint = false} : vector<4096x128xf32>, vector<128x128xf32>, vector<4096x128xf32> -> vector<4096x128xf32>
    %add3A_82 = arith.addf %add3A_72, %dot_general3A_81 : vector<4096x128xf32>
    %get3A_83 = arith.constant 0 : index
    %get3A_84 = arith.constant 0 : index
    %get3A_85 = vector.load %arg8[%get3A_83, %get3A_84] : memref<128x128xf32, #tpu.memory_space<vmem>>, vector<128x128xf32>
    %dot_general3A_86 = arith.constant dense<0.000000e+00> : vector<4096x128xf32>
    %dot_general3A_87 = tpu.matmul %add3A_82, %get3A_85, %dot_general3A_86 {dimension_numbers = #tpu.dot_dimension_numbers<[1], [0], [0], [1], [0, 0, 1, 1], [], []>, precision = #tpu.contract_precision<fp32>, transpose_lhs_hint = false} : vector<4096x128xf32>, vector<128x128xf32>, vector<4096x128xf32> -> vector<4096x128xf32>
    %get3A_88 = arith.constant 0 : index
    %get3A_89 = arith.constant 0 : index
    %get3A_90 = vector.load %arg9[%get3A_88, %get3A_89] : memref<1x128xf32, #tpu.memory_space<vmem>>, vector<1x128xf32>
    %add3A_91 = vector.broadcast %get3A_90 : vector<1x128xf32> to vector<4096x128xf32>
    %add3A_92 = arith.addf %dot_general3A_87, %add3A_91 : vector<4096x128xf32>
    %get3A_93 = arith.constant 0 : index
    %get3A_94 = arith.constant 0 : index
    %get3A_95 = vector.load %arg10[%get3A_93, %get3A_94] : memref<1x128xf32, #tpu.memory_space<vmem>>, vector<1x128xf32>
    %get3A_96 = arith.constant 0 : index
    %get3A_97 = arith.constant 0 : index
    %get3A_98 = vector.load %arg11[%get3A_96, %get3A_97] : memref<1x128xf32, #tpu.memory_space<vmem>>, vector<1x128xf32>
    %reduce_sum3A_99 = arith.constant dense<0.000000e+00> : vector<4096xf32>
    %reduce_sum3A_100 = vector.multi_reduction <add>, %add3A_92, %reduce_sum3A_99 [1] : vector<4096x128xf32> to vector<4096xf32>
    %broadcast_in_dim3A_101 = vector.shape_cast %reduce_sum3A_100 : vector<4096xf32> to vector<4096x1xf32>
    %div3A_102 = arith.constant 1.280000e+02 : f32
    %div3A_103 = vector.broadcast %div3A_102 : f32 to vector<4096x1xf32>
    %div3A_104 = arith.divf %broadcast_in_dim3A_101, %div3A_103 : vector<4096x1xf32>
    %sub3A = vector.broadcast %div3A_104 : vector<4096x1xf32> to vector<4096x128xf32>
    %sub3A_105 = arith.subf %add3A_92, %sub3A : vector<4096x128xf32>
    %integer_pow3A = arith.mulf %sub3A_105, %sub3A_105 : vector<4096x128xf32>
    %reduce_sum3A_106 = arith.constant dense<0.000000e+00> : vector<4096xf32>
    %reduce_sum3A_107 = vector.multi_reduction <add>, %integer_pow3A, %reduce_sum3A_106 [1] : vector<4096x128xf32> to vector<4096xf32>
    %broadcast_in_dim3A_108 = vector.shape_cast %reduce_sum3A_107 : vector<4096xf32> to vector<4096x1xf32>
    %div3A_109 = arith.constant 1.280000e+02 : f32
    %div3A_110 = vector.broadcast %div3A_109 : f32 to vector<4096x1xf32>
    %div3A_111 = arith.divf %broadcast_in_dim3A_108, %div3A_110 : vector<4096x1xf32>
    %sub3A_112 = vector.broadcast %div3A_104 : vector<4096x1xf32> to vector<4096x128xf32>
    %sub3A_113 = arith.subf %add3A_92, %sub3A_112 : vector<4096x128xf32>
    %add3A_114 = arith.constant 9.99999974E-6 : f32
    %add3A_115 = vector.broadcast %add3A_114 : f32 to vector<4096x1xf32>
    %add3A_116 = arith.addf %div3A_111, %add3A_115 : vector<4096x1xf32>
    %sqrt3A = math.sqrt %add3A_116 : vector<4096x1xf32>
    %div3A_117 = vector.broadcast %sqrt3A : vector<4096x1xf32> to vector<4096x128xf32>
    %div3A_118 = arith.divf %sub3A_113, %div3A_117 : vector<4096x128xf32>
    %mul3A_119 = vector.broadcast %get3A_95 : vector<1x128xf32> to vector<4096x128xf32>
    %mul3A_120 = arith.mulf %div3A_118, %mul3A_119 : vector<4096x128xf32>
    %add3A_121 = vector.broadcast %get3A_98 : vector<1x128xf32> to vector<4096x128xf32>
    %add3A_122 = arith.addf %mul3A_120, %add3A_121 : vector<4096x128xf32>
    %gt3A = arith.constant 0.000000e+00 : f32
    %gt3A_123 = vector.broadcast %gt3A : f32 to vector<4096x128xf32>
    %gt3A_124 = arith.cmpf ogt, %add3A_122, %gt3A_123 : vector<4096x128xf32>
    %mul3A_125 = arith.constant 0.00999999977 : f32
    %mul3A_126 = vector.broadcast %mul3A_125 : f32 to vector<4096x128xf32>
    %mul3A_127 = arith.mulf %mul3A_126, %add3A_122 : vector<4096x128xf32>
    %select_n3A_128 = arith.select %gt3A_124, %add3A_122, %mul3A_127 : vector<4096x128xi1>, vector<4096x128xf32>
    %get3A_129 = arith.constant 0 : index
    %get3A_130 = arith.constant 0 : index
    %get3A_131 = vector.load %arg12[%get3A_129, %get3A_130] : memref<128x128xf32, #tpu.memory_space<vmem>>, vector<128x128xf32>
    %dot_general3A_132 = arith.constant dense<0.000000e+00> : vector<4096x128xf32>
    %dot_general3A_133 = tpu.matmul %select_n3A_128, %get3A_131, %dot_general3A_132 {dimension_numbers = #tpu.dot_dimension_numbers<[1], [0], [0], [1], [0, 0, 1, 1], [], []>, precision = #tpu.contract_precision<fp32>, transpose_lhs_hint = false} : vector<4096x128xf32>, vector<128x128xf32>, vector<4096x128xf32> -> vector<4096x128xf32>
    %get3A_134 = arith.constant 0 : index
    %get3A_135 = arith.constant 0 : index
    %get3A_136 = vector.load %arg13[%get3A_134, %get3A_135] : memref<1x128xf32, #tpu.memory_space<vmem>>, vector<1x128xf32>
    %add3A_137 = vector.broadcast %get3A_136 : vector<1x128xf32> to vector<4096x128xf32>
    %add3A_138 = arith.addf %dot_general3A_133, %add3A_137 : vector<4096x128xf32>
    %get3A_139 = arith.constant 0 : index
    %get3A_140 = arith.constant 0 : index
    %get3A_141 = vector.load %arg14[%get3A_139, %get3A_140] : memref<1x128xf32, #tpu.memory_space<vmem>>, vector<1x128xf32>
    %get3A_142 = arith.constant 0 : index
    %get3A_143 = arith.constant 0 : index
    %get3A_144 = vector.load %arg15[%get3A_142, %get3A_143] : memref<1x128xf32, #tpu.memory_space<vmem>>, vector<1x128xf32>
    %reduce_sum3A_145 = arith.constant dense<0.000000e+00> : vector<4096xf32>
    %reduce_sum3A_146 = vector.multi_reduction <add>, %add3A_138, %reduce_sum3A_145 [1] : vector<4096x128xf32> to vector<4096xf32>
    %broadcast_in_dim3A_147 = vector.shape_cast %reduce_sum3A_146 : vector<4096xf32> to vector<4096x1xf32>
    %div3A_148 = arith.constant 1.280000e+02 : f32
    %div3A_149 = vector.broadcast %div3A_148 : f32 to vector<4096x1xf32>
    %div3A_150 = arith.divf %broadcast_in_dim3A_147, %div3A_149 : vector<4096x1xf32>
    %sub3A_151 = vector.broadcast %div3A_150 : vector<4096x1xf32> to vector<4096x128xf32>
    %sub3A_152 = arith.subf %add3A_138, %sub3A_151 : vector<4096x128xf32>
    %integer_pow3A_153 = arith.mulf %sub3A_152, %sub3A_152 : vector<4096x128xf32>
    %reduce_sum3A_154 = arith.constant dense<0.000000e+00> : vector<4096xf32>
    %reduce_sum3A_155 = vector.multi_reduction <add>, %integer_pow3A_153, %reduce_sum3A_154 [1] : vector<4096x128xf32> to vector<4096xf32>
    %broadcast_in_dim3A_156 = vector.shape_cast %reduce_sum3A_155 : vector<4096xf32> to vector<4096x1xf32>
    %div3A_157 = arith.constant 1.280000e+02 : f32
    %div3A_158 = vector.broadcast %div3A_157 : f32 to vector<4096x1xf32>
    %div3A_159 = arith.divf %broadcast_in_dim3A_156, %div3A_158 : vector<4096x1xf32>
    %sub3A_160 = vector.broadcast %div3A_150 : vector<4096x1xf32> to vector<4096x128xf32>
    %sub3A_161 = arith.subf %add3A_138, %sub3A_160 : vector<4096x128xf32>
    %add3A_162 = arith.constant 9.99999974E-6 : f32
    %add3A_163 = vector.broadcast %add3A_162 : f32 to vector<4096x1xf32>
    %add3A_164 = arith.addf %div3A_159, %add3A_163 : vector<4096x1xf32>
    %sqrt3A_165 = math.sqrt %add3A_164 : vector<4096x1xf32>
    %div3A_166 = vector.broadcast %sqrt3A_165 : vector<4096x1xf32> to vector<4096x128xf32>
    %div3A_167 = arith.divf %sub3A_161, %div3A_166 : vector<4096x128xf32>
    %mul3A_168 = vector.broadcast %get3A_141 : vector<1x128xf32> to vector<4096x128xf32>
    %mul3A_169 = arith.mulf %div3A_167, %mul3A_168 : vector<4096x128xf32>
    %add3A_170 = vector.broadcast %get3A_144 : vector<1x128xf32> to vector<4096x128xf32>
    %add3A_171 = arith.addf %mul3A_169, %add3A_170 : vector<4096x128xf32>
    %gt3A_172 = arith.constant 0.000000e+00 : f32
    %gt3A_173 = vector.broadcast %gt3A_172 : f32 to vector<4096x128xf32>
    %gt3A_174 = arith.cmpf ogt, %add3A_171, %gt3A_173 : vector<4096x128xf32>
    %mul3A_175 = arith.constant 0.00999999977 : f32
    %mul3A_176 = vector.broadcast %mul3A_175 : f32 to vector<4096x128xf32>
    %mul3A_177 = arith.mulf %mul3A_176, %add3A_171 : vector<4096x128xf32>
    %select_n3A_178 = arith.select %gt3A_174, %add3A_171, %mul3A_177 : vector<4096x128xi1>, vector<4096x128xf32>
    %get3A_179 = arith.constant 0 : index
    %get3A_180 = arith.constant 0 : index
    %get3A_181 = vector.load %arg16[%get3A_179, %get3A_180] : memref<128x64xf32, #tpu.memory_space<vmem>>, vector<128x64xf32>
    %dot_general3A_182 = arith.constant dense<0.000000e+00> : vector<4096x64xf32>
    %dot_general3A_183 = tpu.matmul %select_n3A_178, %get3A_181, %dot_general3A_182 {dimension_numbers = #tpu.dot_dimension_numbers<[1], [0], [0], [1], [0, 0, 1, 1], [], []>, precision = #tpu.contract_precision<fp32>, transpose_lhs_hint = false} : vector<4096x128xf32>, vector<128x64xf32>, vector<4096x64xf32> -> vector<4096x64xf32>
    %get3A_184 = arith.constant 0 : index
    %get3A_185 = arith.constant 0 : index
    %get3A_186 = vector.load %arg17[%get3A_184, %get3A_185] : memref<1x64xf32, #tpu.memory_space<vmem>>, vector<1x64xf32>
    %add3A_187 = vector.broadcast %get3A_186 : vector<1x64xf32> to vector<4096x64xf32>
    %add3A_188 = arith.addf %dot_general3A_183, %add3A_187 : vector<4096x64xf32>
    %get3A_189 = arith.constant 0 : index
    %get3A_190 = arith.constant 0 : index
    %get3A_191 = vector.load %arg18[%get3A_189, %get3A_190] : memref<1x64xf32, #tpu.memory_space<vmem>>, vector<1x64xf32>
    %get3A_192 = arith.constant 0 : index
    %get3A_193 = arith.constant 0 : index
    %get3A_194 = vector.load %arg19[%get3A_192, %get3A_193] : memref<1x64xf32, #tpu.memory_space<vmem>>, vector<1x64xf32>
    %reduce_sum3A_195 = arith.constant dense<0.000000e+00> : vector<4096xf32>
    %reduce_sum3A_196 = vector.multi_reduction <add>, %add3A_188, %reduce_sum3A_195 [1] : vector<4096x64xf32> to vector<4096xf32>
    %broadcast_in_dim3A_197 = vector.shape_cast %reduce_sum3A_196 : vector<4096xf32> to vector<4096x1xf32>
    %div3A_198 = arith.constant 6.400000e+01 : f32
    %div3A_199 = vector.broadcast %div3A_198 : f32 to vector<4096x1xf32>
    %div3A_200 = arith.divf %broadcast_in_dim3A_197, %div3A_199 : vector<4096x1xf32>
    %sub3A_201 = vector.broadcast %div3A_200 : vector<4096x1xf32> to vector<4096x64xf32>
    %sub3A_202 = arith.subf %add3A_188, %sub3A_201 : vector<4096x64xf32>
    %integer_pow3A_203 = arith.mulf %sub3A_202, %sub3A_202 : vector<4096x64xf32>
    %reduce_sum3A_204 = arith.constant dense<0.000000e+00> : vector<4096xf32>
    %reduce_sum3A_205 = vector.multi_reduction <add>, %integer_pow3A_203, %reduce_sum3A_204 [1] : vector<4096x64xf32> to vector<4096xf32>
    %broadcast_in_dim3A_206 = vector.shape_cast %reduce_sum3A_205 : vector<4096xf32> to vector<4096x1xf32>
    %div3A_207 = arith.constant 6.400000e+01 : f32
    %div3A_208 = vector.broadcast %div3A_207 : f32 to vector<4096x1xf32>
    %div3A_209 = arith.divf %broadcast_in_dim3A_206, %div3A_208 : vector<4096x1xf32>
    %sub3A_210 = vector.broadcast %div3A_200 : vector<4096x1xf32> to vector<4096x64xf32>
    %sub3A_211 = arith.subf %add3A_188, %sub3A_210 : vector<4096x64xf32>
    %add3A_212 = arith.constant 9.99999974E-6 : f32
    %add3A_213 = vector.broadcast %add3A_212 : f32 to vector<4096x1xf32>
    %add3A_214 = arith.addf %div3A_209, %add3A_213 : vector<4096x1xf32>
    %sqrt3A_215 = math.sqrt %add3A_214 : vector<4096x1xf32>
    %div3A_216 = vector.broadcast %sqrt3A_215 : vector<4096x1xf32> to vector<4096x64xf32>
    %div3A_217 = arith.divf %sub3A_211, %div3A_216 : vector<4096x64xf32>
    %mul3A_218 = vector.broadcast %get3A_191 : vector<1x64xf32> to vector<4096x64xf32>
    %mul3A_219 = arith.mulf %div3A_217, %mul3A_218 : vector<4096x64xf32>
    %add3A_220 = vector.broadcast %get3A_194 : vector<1x64xf32> to vector<4096x64xf32>
    %add3A_221 = arith.addf %mul3A_219, %add3A_220 : vector<4096x64xf32>
    %gt3A_222 = arith.constant 0.000000e+00 : f32
    %gt3A_223 = vector.broadcast %gt3A_222 : f32 to vector<4096x64xf32>
    %gt3A_224 = arith.cmpf ogt, %add3A_221, %gt3A_223 : vector<4096x64xf32>
    %mul3A_225 = arith.constant 0.00999999977 : f32
    %mul3A_226 = vector.broadcast %mul3A_225 : f32 to vector<4096x64xf32>
    %mul3A_227 = arith.mulf %mul3A_226, %add3A_221 : vector<4096x64xf32>
    %select_n3A_228 = arith.select %gt3A_224, %add3A_221, %mul3A_227 : vector<4096x64xi1>, vector<4096x64xf32>
    %get3A_229 = arith.constant 0 : index
    %get3A_230 = arith.constant 0 : index
    %get3A_231 = vector.load %arg20[%get3A_229, %get3A_230] : memref<64x64xf32, #tpu.memory_space<vmem>>, vector<64x64xf32>
    %dot_general3A_232 = arith.constant dense<0.000000e+00> : vector<4096x64xf32>
    %dot_general3A_233 = tpu.matmul %select_n3A_228, %get3A_231, %dot_general3A_232 {dimension_numbers = #tpu.dot_dimension_numbers<[1], [0], [0], [1], [0, 0, 1, 1], [], []>, precision = #tpu.contract_precision<fp32>, transpose_lhs_hint = false} : vector<4096x64xf32>, vector<64x64xf32>, vector<4096x64xf32> -> vector<4096x64xf32>
    %get3A_234 = arith.constant 0 : index
    %get3A_235 = arith.constant 0 : index
    %get3A_236 = vector.load %arg21[%get3A_234, %get3A_235] : memref<1x64xf32, #tpu.memory_space<vmem>>, vector<1x64xf32>
    %add3A_237 = vector.broadcast %get3A_236 : vector<1x64xf32> to vector<4096x64xf32>
    %add3A_238 = arith.addf %dot_general3A_233, %add3A_237 : vector<4096x64xf32>
    %swap3A = arith.constant 0 : index
    %swap3A_239 = arith.constant 0 : index
    %swap3A_240 = vector.load %arg28[%swap3A, %swap3A_239] : memref<4096x64xf32, #tpu.memory_space<vmem>>, vector<4096x64xf32>
    tpu.vector_store %arg28[%swap3A, %swap3A_239], %add3A_238 {strides = array<i32>} : memref<4096x64xf32, #tpu.memory_space<vmem>>, vector<4096x64xf32>,
    %get3A_241 = arith.constant 0 : index
    %get3A_242 = arith.constant 0 : index
    %get3A_243 = vector.load %arg22[%get3A_241, %get3A_242] : memref<64x32xf32, #tpu.memory_space<vmem>>, vector<64x32xf32>
    %dot_general3A_244 = arith.constant dense<0.000000e+00> : vector<4096x32xf32>
    %dot_general3A_245 = tpu.matmul %add3A_238, %get3A_243, %dot_general3A_244 {dimension_numbers = #tpu.dot_dimension_numbers<[1], [0], [0], [1], [0, 0, 1, 1], [], []>, precision = #tpu.contract_precision<fp32>, transpose_lhs_hint = false} : vector<4096x64xf32>, vector<64x32xf32>, vector<4096x32xf32> -> vector<4096x32xf32>
    %get3A_246 = arith.constant 0 : index
    %get3A_247 = arith.constant 0 : index
    %get3A_248 = vector.load %arg23[%get3A_246, %get3A_247] : memref<1x32xf32, #tpu.memory_space<vmem>>, vector<1x32xf32>
    %add3A_249 = vector.broadcast %get3A_248 : vector<1x32xf32> to vector<4096x32xf32>
    %add3A_250 = arith.addf %dot_general3A_245, %add3A_249 : vector<4096x32xf32>
    %get3A_251 = arith.constant 0 : index
    %get3A_252 = arith.constant 0 : index
    %get3A_253 = vector.load %arg24[%get3A_251, %get3A_252] : memref<1x32xf32, #tpu.memory_space<vmem>>, vector<1x32xf32>
    %get3A_254 = arith.constant 0 : index
    %get3A_255 = arith.constant 0 : index
    %get3A_256 = vector.load %arg25[%get3A_254, %get3A_255] : memref<1x32xf32, #tpu.memory_space<vmem>>, vector<1x32xf32>
    %reduce_sum3A_257 = arith.constant dense<0.000000e+00> : vector<4096xf32>
    %reduce_sum3A_258 = vector.multi_reduction <add>, %add3A_250, %reduce_sum3A_257 [1] : vector<4096x32xf32> to vector<4096xf32>
    %broadcast_in_dim3A_259 = vector.shape_cast %reduce_sum3A_258 : vector<4096xf32> to vector<4096x1xf32>
    %div3A_260 = arith.constant 3.200000e+01 : f32
    %div3A_261 = vector.broadcast %div3A_260 : f32 to vector<4096x1xf32>
    %div3A_262 = arith.divf %broadcast_in_dim3A_259, %div3A_261 : vector<4096x1xf32>
    %sub3A_263 = vector.broadcast %div3A_262 : vector<4096x1xf32> to vector<4096x32xf32>
    %sub3A_264 = arith.subf %add3A_250, %sub3A_263 : vector<4096x32xf32>
    %integer_pow3A_265 = arith.mulf %sub3A_264, %sub3A_264 : vector<4096x32xf32>
    %reduce_sum3A_266 = arith.constant dense<0.000000e+00> : vector<4096xf32>
    %reduce_sum3A_267 = vector.multi_reduction <add>, %integer_pow3A_265, %reduce_sum3A_266 [1] : vector<4096x32xf32> to vector<4096xf32>
    %broadcast_in_dim3A_268 = vector.shape_cast %reduce_sum3A_267 : vector<4096xf32> to vector<4096x1xf32>
    %div3A_269 = arith.constant 3.200000e+01 : f32
    %div3A_270 = vector.broadcast %div3A_269 : f32 to vector<4096x1xf32>
    %div3A_271 = arith.divf %broadcast_in_dim3A_268, %div3A_270 : vector<4096x1xf32>
    %sub3A_272 = vector.broadcast %div3A_262 : vector<4096x1xf32> to vector<4096x32xf32>
    %sub3A_273 = arith.subf %add3A_250, %sub3A_272 : vector<4096x32xf32>
    %add3A_274 = arith.constant 9.99999974E-6 : f32
    %add3A_275 = vector.broadcast %add3A_274 : f32 to vector<4096x1xf32>
    %add3A_276 = arith.addf %div3A_271, %add3A_275 : vector<4096x1xf32>
    %sqrt3A_277 = math.sqrt %add3A_276 : vector<4096x1xf32>
    %div3A_278 = vector.broadcast %sqrt3A_277 : vector<4096x1xf32> to vector<4096x32xf32>
    %div3A_279 = arith.divf %sub3A_273, %div3A_278 : vector<4096x32xf32>
    %mul3A_280 = vector.broadcast %get3A_253 : vector<1x32xf32> to vector<4096x32xf32>
    %mul3A_281 = arith.mulf %div3A_279, %mul3A_280 : vector<4096x32xf32>
    %add3A_282 = vector.broadcast %get3A_256 : vector<1x32xf32> to vector<4096x32xf32>
    %add3A_283 = arith.addf %mul3A_281, %add3A_282 : vector<4096x32xf32>
    %gt3A_284 = arith.constant 0.000000e+00 : f32
    %gt3A_285 = vector.broadcast %gt3A_284 : f32 to vector<4096x32xf32>
    %gt3A_286 = arith.cmpf ogt, %add3A_283, %gt3A_285 : vector<4096x32xf32>
    %mul3A_287 = arith.constant 0.00999999977 : f32
    %mul3A_288 = vector.broadcast %mul3A_287 : f32 to vector<4096x32xf32>
    %mul3A_289 = arith.mulf %mul3A_288, %add3A_283 : vector<4096x32xf32>
    %select_n3A_290 = arith.select %gt3A_286, %add3A_283, %mul3A_289 : vector<4096x32xi1>, vector<4096x32xf32>
    %get3A_291 = arith.constant 0 : index
    %get3A_292 = arith.constant 0 : index
    %get3A_293 = vector.load %arg26[%get3A_291, %get3A_292] : memref<32x1xf32, #tpu.memory_space<vmem>>, vector<32x1xf32>
    %dot_general3A_294 = arith.constant dense<0.000000e+00> : vector<4096x1xf32>
    %dot_general3A_295 = tpu.matmul %select_n3A_290, %get3A_293, %dot_general3A_294 {dimension_numbers = #tpu.dot_dimension_numbers<[1], [0], [0], [1], [0, 0, 1, 1], [], []>, precision = #tpu.contract_precision<fp32>, transpose_lhs_hint = false} : vector<4096x32xf32>, vector<32x1xf32>, vector<4096x1xf32> -> vector<4096x1xf32>
    %get3A_296 = arith.constant 0 : index
    %get3A_297 = arith.constant 0 : index
    %get3A_298 = vector.load %arg27[%get3A_296, %get3A_297] : memref<1x1xf32, #tpu.memory_space<vmem>>, vector<1x1xf32>
    %add3A_299 = vector.broadcast %get3A_298 : vector<1x1xf32> to vector<4096x1xf32>
    %add3A_300 = arith.addf %dot_general3A_295, %add3A_299 : vector<4096x1xf32>
    %logistic3A = arith.negf %add3A_300 : vector<4096x1xf32>
    %logistic3A_301 = math.exp %logistic3A : vector<4096x1xf32>
    %logistic3A_302 = arith.constant 1.000000e+00 : f32
    %logistic3A_303 = vector.broadcast %logistic3A_302 : f32 to vector<4096x1xf32>
    %logistic3A_304 = arith.addf %logistic3A_303, %logistic3A_301 : vector<4096x1xf32>
    %logistic3A_305 = arith.divf %logistic3A_303, %logistic3A_304 : vector<4096x1xf32>
    %swap3A_306 = arith.constant 0 : index
    %swap3A_307 = arith.constant 0 : index
    %swap3A_308 = vector.load %arg29[%swap3A_306, %swap3A_307] : memref<4096x1xf32, #tpu.memory_space<vmem>>, vector<4096x1xf32>
    tpu.vector_store %arg29[%swap3A_306, %swap3A_307], %logistic3A_305 {strides = array<i32>} : memref<4096x1xf32, #tpu.memory_space<vmem>>, vector<4096x1xf32>,
    return
  }
}

</mosaic_0001>

<sc_bundles>
// kernel: kernel.4.cloned.1.call-start
scs
__scs_entry_jumppad:
0x0: {  	(pc) =	sbr.rel $0x88, $3  }
0x1: {  	(tag) =	ssettag $0x0;
	lr =	simm.s32 $0x1  }
0x2: {  	[smem:$0x3F85] =	sst lr;
	_ =	strace $0xD0000000  }
0x3: {  	_ = 	snop  }
0x4: {  	_ = 	snop  }
0x5: {  	_ = 	snop  }
0x6: {  	_ = 	snop  }
0x7: {  	_ = 	snop  }
__scs_overlays_trampoline_lowered:
0x8: {  	[smem:$0x3F94] =	sst s0  }
0x9: {  	[smem:$0x3F95] =	sst s1  }
0xa: {  	[smem:$0x3F96] =	sst s2  }
0xb: {  	[smem:$0x3F97] =	sst s3  }
0xc: {  	[smem:$0x3F98] =	sst s4  }
0xd: {  	[smem:$0x3F99] =	sst s5  }
0xe: {  	[smem:$0x3F9A] =	sst s6  }
0xf: {  	[smem:$0x3F9B] =	sst s7  }
0x10: {  	[smem:$0x3F9C] =	sst s8  }
0x11: {  	[smem:$0x3F9D] =	sst s9;
	s0 =	simm.s32 @!p0 $0x0  }
0x12: {  	s1 =	sld [smem:$0x3F83];
	s0 =	simm.s32 @p0 $0x1  }
0x13: {  	[smem:$0x3F9E] =	sst s0;
	s0 =	simm.s32 @!p1 $0x0  }
0x14: {  	s2 =	sld [smem:$0x3F82];
	s0 =	simm.s32 @p1 $0x1  }
0x15: {  	[smem:$0x3F9F] =	sst s0;
	s0 =	simm.s32 @!p2 $0x0  }
0x16: {  	s3 =	sld [smem:$0x3FDB];
	s0 =	simm.s32 @p2 $0x1  }
0x17: {  	s4 =	simm.s32 $0x1BF5;
	[smem:$0x3FA1] =	sst s0  }
0x18: {  	s0 =	sld [smem:$0x3F84];
	_ =	swait.ge [sflag:s4], $0x0  }
0x19: {  	s7 =	sld [smem:$0x3F85]  }
0x1a: {  	s8 =	sadd.s32 $0xFFFFE003, lr  }
0x1b: {  	s9 =	sadd.s32 $0xFFFFFEF7, lr;
	s5 =	simm.s32 $0xFFFFFFFF;
	p2 =	slt.u32 s8, $0xFFFFF086  }
0x1c: {  	p1 =	slt.u32 s9, $0xF7A;
	s5 =	simm.s32 @!p2 $0x0  }
0x1d: {  	s5 =	simm.s32 @p1 $0x1;
	p0 =	seq.s32 s7, s2  }
0x1e: {  	s7 =	smul.u32 @!p0 $0xF7A, s2;
	p2 =	seq.s32 @!p0 s5, $0x0  }
0x1f: {  	s9 =	smul.u32 $0xF7A, s1;
	s8 =	simm.s32 @!p0 $0x1BF5;
	p2 =	por !p2, p0  }
0x20: {  	[sflag:s8] =	ssyncset.s32 @!p0 $0xFFFFF086;
	s6 =	sadd.s32 @!p0 s3, s7;
	s7 =	simm.s32 @!p0 $0x108  }
0x21: {  	s3 =	sadd.s32 s3, s9;
	s6 =	sadd.s32 @!p0 $0x88, s6;
	s7 =	simm.s32 @p2 $0x1082  }
0x22: {  	[simem:s7], [sflag:s8] =	dma.local @!p0 [hbm:s6], $0xF7A  }
0x23: {  	s9 =	sor.u32 $0xD0000000, s2;
	s6 =	simm.s32 $0x108;
	_ =	swait.ge @!p0 [sflag:s8], $0x0  }
0x24: {  	s3 =	sadd.s32 $0x88, s3;
	s6 =	simm.s32 @!p1 $0x1082;
	[sflag:s4] =	ssyncset.s32 $0xFFFFF086  }
0x25: {  	[simem:s6], [sflag:s4] =	dma.local [hbm:s3], $0xF7A  }
0x26: {  	[smem:$0x3F85] =	sst s1;
	(tag) =	ssettag s2;
	_ =	strace s9  }
0x27: {  	s1 =	sld [smem:$0x3F95]  }
0x28: {  	s2 =	sld [smem:$0x3F96]  }
0x29: {  	s4 =	sld [smem:$0x3F98]  }
0x2a: {  	p0 =	seq.s32 s5, $0x0;
	s5 =	sld [smem:$0x3F99]  }
0x2b: {  	s6 =	sld [smem:$0x3F9A]  }
0x2c: {  	s7 =	sld [smem:$0x3F9B]  }
0x2d: {  	s3 =	simm.s32 $0x108;
	s8 =	sld [smem:$0x3F9C]  }
0x2e: {  	s3 =	simm.s32 @!p0 $0x1082;
	s9 =	sld [smem:$0x3F9D]  }
0x2f: {  	lr =	sadd.s32 s0, s3;
	s0 =	sld [smem:$0x3F94]  }
0x30: {  	s3 =	sld [smem:$0x3F97]  }
0x31: {  	[smem:$0x3FA0] =	sst s10  }
0x32: {  	s10 =	sld [smem:$0x3F9E];
	_ =	sdelay $0x3  }
0x33: {  	p0 =	seq.s32 s10, $0x1;
	s10 =	sld [smem:$0x3FA0];
	_ =	sdelay $0x3  }
0x34: {  	[smem:$0x3FA0] =	sst s10  }
0x35: {  	s10 =	sld [smem:$0x3F9F];
	_ =	sdelay $0x3  }
0x36: {  	p1 =	seq.s32 s10, $0x1;
	s10 =	sld [smem:$0x3FA0];
	_ =	sdelay $0x3  }
0x37: {  	[smem:$0x3FA0] =	sst s10  }
0x38: {  	s10 =	sld [smem:$0x3FA1]  }
0x39: {  	_ = 	snop;
	(pc) =	sbr.ind lr, $3  }
0x3a: {  	_ = 	snop  }
0x3b: {  	_ = 	snop  }
0x3c: {  	p2 =	seq.s32 s10, $0x1;
	s10 =	sld [smem:$0x3FA0]  }
0x3d: {  	_ =	shalt  }
0x3e: {  	_ =	shalt  }
0x3f: {  	_ =	shalt  }
0x40: {  	_ =	shalt  }
0x41: {  	_ =	shalt  }
0x42: {  	_ =	shalt  }
0x43: {  	_ =	shalt  }
0x44: {  	_ =	shalt  }
0x45: {  	_ =	shalt  }
0x46: {  	_ =	shalt  }
0x47: {  	_ =	shalt  }
0x48: {  	_ =	shalt  }
0x49: {  	_ =	shalt  }
0x4a: {  	_ =	shalt  }
0x4b: {  	_ =	shalt  }
0x4c: {  	_ =	shalt  }
0x4d: {  	_ =	shalt  }
0x4e: {  	_ =	shalt  }
0x4f: {  	_ =	shalt  }
0x50: {  	_ =	shalt  }
0x51: {  	_ =	shalt  }
0x52: {  	_ =	shalt  }
0x53: {  	_ =	shalt  }
0x54: {  	_ =	shalt  }
0x55: {  	_ =	shalt  }
0x56: {  	_ =	shalt  }
0x57: {  	_ =	shalt  }
0x58: {  	_ =	shalt  }
0x59: {  	_ =	shalt  }
0x5a: {  	_ =	shalt  }
0x5b: {  	_ =	shalt  }
0x5c: {  	_ =	shalt  }
0x5d: {  	_ =	shalt  }
0x5e: {  	_ =	shalt  }
0x5f: {  	_ =	shalt  }
0x60: {  	_ =	shalt  }
0x61: {  	_ =	shalt  }
0x62: {  	_ =	shalt  }
0x63: {  	_ =	shalt  }
0x64: {  	_ =	shalt  }
0x65: {  	_ =	shalt  }
0x66: {  	_ =	shalt  }
0x67: {  	_ =	shalt  }
0x68: {  	_ =	shalt  }
0x69: {  	_ =	shalt  }
0x6a: {  	_ =	shalt  }
0x6b: {  	_ =	shalt  }
0x6c: {  	_ =	shalt  }
0x6d: {  	_ =	shalt  }
0x6e: {  	_ =	shalt  }
0x6f: {  	_ =	shalt  }
0x70: {  	_ =	shalt  }
0x71: {  	_ =	shalt  }
0x72: {  	_ =	shalt  }
0x73: {  	_ =	shalt  }
0x74: {  	_ =	shalt  }
0x75: {  	_ =	shalt  }
0x76: {  	_ =	shalt  }
0x77: {  	_ =	shalt  }
0x78: {  	_ =	shalt  }
0x79: {  	_ =	shalt  }
0x7a: {  	_ =	shalt  }
0x7b: {  	_ =	shalt  }
0x7c: {  	_ =	shalt  }
0x7d: {  	_ =	shalt  }
0x7e: {  	_ =	shalt  }
0x7f: {  	_ =	shalt  }
0x80: {  	_ =	shalt  }
0x81: {  	_ =	shalt  }
0x82: {  	_ =	shalt  }
0x83: {  	_ =	shalt  }
0x84: {  	_ =	shalt  }
0x85: {  	_ =	shalt  }
0x86: {  	_ =	shalt  }
0x87: {  	_ =	shalt  }
.Lfunc_end0:
.L_simem_size_0:
called_computation_lowered:
.L_overlay_start_0:
0x88: {  	s2 =	sld [smem:$0x3FD9]  }
0x89: {  	s3 =	sld [smem:$0x3FFE];
	_ =	sdelay $0x1  }
0x8a: {  	s1 =	srdreg.scid  }
0x8b: {  	s0 =	sand.u32 $0x1, s1  }
0x8c: {  	s14 =	sshll.u32 s0, $0xA;
	s2 =	sadd.s32 s3, s2  }
0x8d: {  	s2 =	sadd.s32 s2, s14  }
0x8e: {  	[smem:$0x3FAC] =	sst s2  }
0x8f: {  	_ = 	snop  }
0x90: {  	s2 =	sld [smem:$0x3FD0];
	_ =	sdelay $0x1  }
0x91: {  	s15 =	sld [smem:$0x3FC9]  }
0x92: {  	s5 =	simm.s32 $0xA;
	s6 =	simm.s32 $0x10;
	s4 =	sld [smem:$0x3FC6]  }
0x93: {  	[smem:s6], [sflag:s5] =	dma.local [hbm:s2], $0x1  }
0x94: {  	_ =	swait.eq [sflag:s5], $0x1  }
0x95: {  	[sflag:s5] =	ssyncset.done $0x0  }
0x96: {  	[sflag:s5] =	ssyncadd.s32 $0xFFFFFFFF  }
0x97: {  	s16 =	sld [smem:$0x10];
	(tm) =	ssettm $0x1  }
0x98: {  	s17 =	sld [smem:$0x3FFB];
	_ =	sdelay $0x3  }
0x99: {  	_ =	strace s17  }
0x9a: {  	s5 =	sld [smem:$0x3FFC];
	_ =	sdelay $0x3  }
0x9b: {  	_ =	strace s5  }
0x9c: {  	s5 =	sld [smem:$0x3FFD];
	_ =	sdelay $0x3  }
0x9d: {  	_ =	strace s5  }
0x9e: {  	_ =	strace $0x8FFFFFFF  }
0x9f: {  	s18 =	sld [smem:$0x3FDB];
	_ =	sdelay $0x1  }
0xa0: {  	s19 =	simm.s32 $_scs_section_size  }
0xa1: {  	s7 =	simm.s32 $_size__tile_overlayer_lowered;
	s8 =	simm.s32 $_tile_overlayer_lowered  }
0xa2: {  	s22 =	simm.s32 $0x1BFF;
	s21 =	sshll.u32 s8, $0x1;
	s5 =	sadd.s32 s19, s18  }
0xa3: {  	s9 =	simm.s32 $0x0;
	s20 =	sshll.u32 s7, $0x1;
	s7 =	sadd.s32 s21, s5  }
0xa4: {  	[timem:s9], [sflag:s22] =	dma.local [hbm:s7], s20  }
0xa5: {  	_ =	swait.ge [sflag:s22], s20  }
0xa6: {  	s6 =	ssub.s32 $0x0, s20;
	[sflag:s22] =	ssyncset.done $0x0  }
0xa7: {  	[sflag:s22] =	ssyncadd.s32 s6;
	_ =	sdelay $0x1  }
0xa8: {  	s23 =	simm.s32 $0x1B8B  }
0xa9: {  	_ =	swait.ge [sflag:s23], $0x1  }
0xaa: {  	[sflag:s23] =	ssyncset.done $0x0  }
0xab: {  	s25 =	simm.s32 $0x1B8E;
	s24 =	sld [smem:$0x3FFE];
	[sflag:s23] =	ssyncadd.s32 $0xFFFFFFFF  }
0xac: {  	s26 =	simm.s32 $execute0_lowered;
	[smem:$0x3FD2] =	sst s25  }
0xad: {  	s7 =	sshll.u32 s26, $0x1;
	_ =	strace $0x80000046;
	[dreg:$0x1] =	wrdreg $0xFFFFFFFF  }
0xae: {  	s28 =	simm.s32 $_size_execute0_lowered;
	s5 =	sadd.s32 s5, s7;
	[dreg:$0x0] =	wrdreg $0x0  }
0xaf: {  	s7 =	sshll.u32 s28, $0x1;
	[dreg:$0x2] =	wrdreg s5  }
0xb0: {  	[dreg:$0x3] =	wrdreg s7  }
0xb1: {  	[dreg:$0x4] =	wrdreg $0xC0  }
0xb2: {  	_ =	task [dreg:s9], $0x5FFFF  }
0xb3: {  	[dreg:$0x1] =	wrdreg $0xFFFFFFFF  }
0xb4: {  	[dreg:$0x0] =	wrdreg $0x60  }
0xb5: {  	[dreg:$0x2] =	wrdreg s4  }
0xb6: {  	[dreg:$0x3] =	wrdreg s24  }
0xb7: {  	[dreg:$0x4] =	wrdreg s15  }
0xb8: {  	[dreg:$0x5] =	wrdreg s16  }
0xb9: {  	[dreg:$0x6] =	wrdreg $0x0  }
0xba: {  	[dreg:$0x7] =	wrdreg $0x140000  }
0xbb: {  	[dreg:$0x8] =	wrdreg $0x142800  }
0xbc: {  	[dreg:$0x9] =	wrdreg $0x9  }
0xbd: {  	_ =	task.clear_ibuf [dreg:s9], $0xAFFFF;
	_ =	strace $0x90000046  }
0xbe: {  	s29 =	simm.s32 $0x9;
	_ =	strace $0x80000048  }
0xbf: {  	_ =	swait.ge [sflag:s29], $0x1  }
0xc0: {  	[sflag:s29] =	ssyncadd.s32 $0xFFFFFFFF  }
0xc1: {  	_ =	strace $0x90000048  }
0xc2: {  	_ =	sfence  }
0xc3: {  	s30 =	sld [smem:$0x0];
	_ =	sdelay $0x2  }
0xc4: {  	s31 =	sshll.u32 s1, $0xD;
	s1 =	sshrl.u32 s1, $0x2  }
0xc5: {  	s3 =	sand.u32 $0x4000, s31;
	s1 =	sadd.s32 s1, s30  }
0xc6: {  	s0 =	sor.u32 s3, s0;
	s1 =	sshll.u32 s1, $0x11  }
0xc7: {  	s0 =	sor.u32 s1, s0  }
0xc8: {  	s0 =	sadd.s32 $0x8F2B, s0  }
0xc9: {  	[sflag:s0] =	ssyncadd.remote.s32 $0x1  }
0xca: {  	_ =	sfence.sel $0xFFFF  }
0xcb: {  	[dreg:$0x0] =	wrdreg $0xFFFFFFFF;
	(pc) =	sbr.abs _section_cstart, $3  }
0xcc: {  	[dreg:$0x1] =	wrdreg $0xFFFFFFFF  }
0xcd: {  	_ =	task.clear_ibuf [dreg:s9], $0x2FFFF;
	_ =	strace $0x9FFFFFFF  }
0xce: {  	(tm) =	ssettm $0x7FFFFFFF  }
0xcf: {  	_ =	shalt  }
tec
execute0_lowered:
.L_overlay_start_1:
0x0: {  	(tag) =	ssettag $0x1  }
0x1: {  	s0 =	rddreg [dreg:$0x0]  }
0x2: {  	s1 =	rddreg [dreg:$0x1]  }
0x3: {  	s6 =	rddreg [dreg:$0x2]  }
0x4: {  	s7 =	rddreg [dreg:$0x3]  }
0x5: {  	s2 =	rddreg [dreg:$0x4]  }
0x6: {  	s3 =	rddreg [dreg:$0x5]  }
0x7: {  	s4 =	rddreg [dreg:$0x6];
	s30 =	simm.s32 $0x0  }
0x8: {  	s18 =	stileid.u32;
	s8 =	srdreg.scid;
	s31 =	simm.s32 $0x4  }
0x9: {  	s28 =	simm.s32 $0x15F00;
	s29 =	simm.s32 $0x2;
	[smem:$0x7FF] =	sst s30  }
0xa: {  	s21 =	sadd.s32 $0xDA00, s1;
	s22 =	sadd.s32 $0x3A00, s1;
	s14 =	smul.u32 $0x50000, s18  }
0xb: {  	s9 =	sadd.s32 $0x17A00, s1;
	s8 =	sand.u32 $0x1, s8;
	s17 =	smul.u32 $0xA00, s18  }
0xc: {  	s16 =	sshll.u32 s18, $0x7;
	s19 =	sshll.u32 s18, $0x6;
	s24 =	smul.u32 $0x5000, s18  }
0xd: {  	_ =	strace $0x80000047;
	[dreg:$0xa] =	wrdreg s9;
	s9 =	sshll.u32 s18, $0xC  }
0xe: {  	s11 =	sshll.u32 s8, $0x10;
	s12 =	ssub.s32 $0x2, s8;
	[dreg:$0x8] =	wrdreg s21  }
0xf: {  	s7 =	sadd.s32 s7, s16;
	p0 =	sne.s32 s8, $0x0;
	[dreg:$0x9] =	wrdreg s22  }
0x10: {  	s10 =	sadd.s32 s9, s1;
	s13 =	sshrl.u32 s12, $0x1;
	[dreg:$0xb] =	wrdreg s7  }
0x11: {  	s20 =	sshrl.u32 s17, $0x2;
	s7 =	sor.u32 $0x1C04, s19;
	[dreg:$0xf] =	wrdreg s24  }
0x12: {  	s14 =	sshrl.u32 s14, $0x2;
	[dreg:$0xc] =	wrdreg s7;
	s23 =	sadd.s32 s20, s3  }
0x13: {  	s12 =	ssub.s32 s12, s13;
	s14 =	sadd.s32 s14, s2;
	[dreg:$0xe] =	wrdreg s23  }
0x14: {  	s1 =	sadd.s32 s11, s1;
	s25 =	smax.u32 s12, $0x1;
	[dreg:$0xd] =	wrdreg s14  }
0x15: {  	s15 =	sshrl.u32 s9, $0x2;
	s26 =	sadd.s32 $0x2000, s14;
	[dreg:$0x10] =	wrdreg s25  }
0x16: {  	s13 =	sadd.s32 s15, s4;
	s5 =	sadd.s32 $0x4000, s14;
	[dreg:$0x11] =	wrdreg s26  }
0x17: {  	s1 =	sadd.s32 s9, s1;
	s15 =	sadd.s32 $0x6000, s14;
	[dreg:$0x12] =	wrdreg s5  }
0x18: {  	s16 =	sadd.s32 s11, s10;
	s17 =	sadd.s32 $0x8000, s14;
	[dreg:$0x13] =	wrdreg s15  }
0x19: {  	s7 =	simm.s32 $0x0;
	s1 =	sadd.s32 $0x41A00, s1;
	[dreg:$0x15] =	wrdreg s17  }
0x1a: {  	s12 =	sshll.u32 s18, $0x5;
	s18 =	sshrl.u32 s13, $0x3;
	[dreg:$0x16] =	wrdreg s1  }
0x1b: {  	s23 =	sadd.s32 $0x21A00, s16;
	s19 =	sadd.s32 $0xA000, s14;
	[dreg:$0x18] =	wrdreg s18  }
0x1c: {  	s20 =	sadd.s32 $0xC000, s14;
	s24 =	sadd.s32 $0xE000, s14;
	[dreg:$0x19] =	wrdreg s19  }
0x1d: {  	s13 =	simm.s32 $0x40;
	s16 =	simm.s32 $0x16080;
	[dreg:$0x1a] =	wrdreg s20  }
0x1e: {  	s6 =	sadd.s32 s12, s6;
	s5 =	sadd.s32 $0x61A00, s10;
	[dreg:$0x1b] =	wrdreg s24  }
0x1f: {  	s25 =	sadd.s32 $0x10000, s14;
	s26 =	sadd.s32 $0x12000, s14;
	s1 =	simm.s32 $0x16100  }
0x20: {  	s15 =	simm.s32 $0x16000;
	s17 =	simm.s32 $0x18100;
	[dreg:$0x14] =	wrdreg s6  }
0x21: {  	s18 =	simm.s32 $0x1;
	s20 =	simm.s32 $0x15F80;
	[dreg:$0x1c] =	wrdreg s25  }
0x22: {  	s24 =	simm.s32 $0x1A100;
	s12 =	simm.s32 $0x5;
	[dreg:$0x1d] =	wrdreg s26  }
0x23: {  	v1 =	vimm.f32 $0.0e+00;
	v0 =	vmov s8;
	s25 =	simm.s32 $0x15E80;
	s26 =	simm.s32 $0x3;
	[dreg:$0x17] =	wrdreg s5  }
.LBB2_1:
0x24: {  	s6 =	sand.u32 $0x7E00, s30  }
0x25: {  	[dreg:$0x1e] =	wrdreg s7;
	s19 =	sand.u32 $0x70, s30;
	s8 =	sshrl.u32 s6, $0x2  }
0x26: {  	s7 =	simm.s32 $0x0;
	s6 =	simm.s32 $0x40;
	s8 =	sor.u32 s19, s8  }
.LBB2_2:
0x27: {  	p1 =	sne.s32 s6, $0x7FC0  }
0x28: {  	[tilespmem:s8+$0x16100] =	vst v1;
	s7 =	sadd.s32 $0x10, s7;
	s8 =	smov.u32 s6;
	s6 =	sadd.s32 $0x40, s6  }
.Ltmp0:
0x29: {  	(pc) =	sbr.rel @p1 .LBB2_2-.Ltmp0, $4  }
0x2a: {  	_ = 	snop  }
0x2b: {  	s8 =	sand.u32 $0x7E00, s8  }
0x2c: {  	s9 =	sand.u32 $0x70, s7;
	s8 =	sshrl.u32 s8, $0x2  }
0x2d: {  	s8 =	sor.u32 s9, s8  }
0x2e: {  	s6 =	rddreg [dreg:$0xb]  }
0x2f: {  	s7 =	rddreg [dreg:$0xc]  }
0x30: {  	[tilespmem:s8+$0x16100] =	vst v1;
	s5 =	rddreg [dreg:$0x18]  }
0x31: {  	[spmem:s5], [sflag:s7] =	dma.local [hbm:s6], $0x80  }
0x32: {  	_ =	swait.ge [sflag:s31], $0x80  }
0x33: {  	[sflag:s31] =	ssyncset.done $0x0  }
0x34: {  	s11 =	rddreg [dreg:$0xd];
	[sflag:s31] =	ssyncadd.s32 $0xFFFFFF80  }
0x35: {  	[spmem:s11] =	stream.linear.scatter [tilespmem:s1], [sflag:$0x4], $0x2000, $0x38;
	[tilespmem:$0x1C180] =	vst v63  }
0x36: {  	_ =	swait.ge [sflag:s31], $0x2000  }
0x37: {  	[sflag:s31] =	ssyncset.done $0x0  }
0x38: {  	s14 =	rddreg [dreg:$0x11];
	[sflag:s31] =	ssyncadd.s32 $0xFFFFE000  }
0x39: {  	[spmem:s14] =	stream.linear.scatter [tilespmem:s1], [sflag:$0x4], $0x2000, $0x38;
	[tilespmem:$0x1C180] =	vst v63  }
0x3a: {  	_ =	swait.ge [sflag:s31], $0x2000  }
0x3b: {  	[sflag:s31] =	ssyncset.done $0x0  }
0x3c: {  	s19 =	rddreg [dreg:$0x12];
	[sflag:s31] =	ssyncadd.s32 $0xFFFFE000  }
0x3d: {  	[spmem:s19] =	stream.linear.scatter [tilespmem:s1], [sflag:$0x4], $0x2000, $0x38;
	[tilespmem:$0x1C180] =	vst v63  }
0x3e: {  	_ =	swait.ge [sflag:s31], $0x2000  }
0x3f: {  	[sflag:s31] =	ssyncset.done $0x0  }
0x40: {  	s5 =	rddreg [dreg:$0x13];
	[sflag:s31] =	ssyncadd.s32 $0xFFFFE000  }
0x41: {  	[spmem:s5] =	stream.linear.scatter [tilespmem:s1], [sflag:$0x4], $0x2000, $0x38;
	[tilespmem:$0x1C180] =	vst v63  }
0x42: {  	_ =	swait.ge [sflag:s31], $0x2000  }
0x43: {  	[sflag:s31] =	ssyncset.done $0x0  }
0x44: {  	s7 =	rddreg [dreg:$0x15];
	[sflag:s31] =	ssyncadd.s32 $0xFFFFE000  }
0x45: {  	[spmem:s7] =	stream.linear.scatter [tilespmem:s1], [sflag:$0x4], $0x2000, $0x38;
	[tilespmem:$0x1C180] =	vst v63  }
0x46: {  	_ =	swait.ge [sflag:s31], $0x2000  }
0x47: {  	[sflag:s31] =	ssyncset.done $0x0  }
0x48: {  	s8 =	rddreg [dreg:$0x19];
	[sflag:s31] =	ssyncadd.s32 $0xFFFFE000  }
0x49: {  	[spmem:s8] =	stream.linear.scatter [tilespmem:s1], [sflag:$0x4], $0x2000, $0x38;
	[tilespmem:$0x1C180] =	vst v63  }
0x4a: {  	_ =	swait.ge [sflag:s31], $0x2000  }
0x4b: {  	[sflag:s31] =	ssyncset.done $0x0  }
0x4c: {  	s9 =	rddreg [dreg:$0x1a];
	[sflag:s31] =	ssyncadd.s32 $0xFFFFE000  }
0x4d: {  	[spmem:s9] =	stream.linear.scatter [tilespmem:s1], [sflag:$0x4], $0x2000, $0x38;
	[tilespmem:$0x1C180] =	vst v63  }
0x4e: {  	_ =	swait.ge [sflag:s31], $0x2000  }
0x4f: {  	[sflag:s31] =	ssyncset.done $0x0  }
0x50: {  	s10 =	rddreg [dreg:$0x1b];
	[sflag:s31] =	ssyncadd.s32 $0xFFFFE000  }
0x51: {  	[spmem:s10] =	stream.linear.scatter [tilespmem:s1], [sflag:$0x4], $0x2000, $0x38;
	[tilespmem:$0x1C180] =	vst v63  }
0x52: {  	_ =	swait.ge [sflag:s31], $0x2000  }
0x53: {  	[sflag:s31] =	ssyncset.done $0x0  }
0x54: {  	s11 =	rddreg [dreg:$0x1c];
	[sflag:s31] =	ssyncadd.s32 $0xFFFFE000  }
0x55: {  	[spmem:s11] =	stream.linear.scatter [tilespmem:s1], [sflag:$0x4], $0x2000, $0x38;
	[tilespmem:$0x1C180] =	vst v63  }
0x56: {  	_ =	swait.ge [sflag:s31], $0x2000  }
0x57: {  	[sflag:s31] =	ssyncset.done $0x0  }
0x58: {  	s14 =	rddreg [dreg:$0x1d];
	[sflag:s31] =	ssyncadd.s32 $0xFFFFE000  }
0x59: {  	[spmem:s14] =	stream.linear.scatter [tilespmem:s1], [sflag:$0x4], $0x2000, $0x38;
	[tilespmem:$0x1C180] =	vst v63  }
0x5a: {  	_ =	swait.ge [sflag:s31], $0x2000  }
0x5b: {  	[sflag:s31] =	ssyncset.done $0x0  }
0x5c: {  	s19 =	rddreg [dreg:$0xe];
	[sflag:s31] =	ssyncadd.s32 $0xFFFFE000  }
0x5d: {  	[spmem:s19] =	stream.linear.scatter [tilespmem:s1], [sflag:$0x4], $0x280, $0x38;
	[tilespmem:$0x1C180] =	vst v63  }
0x5e: {  	_ =	swait.ge [sflag:s31], $0x280  }
0x5f: {  	[sflag:s31] =	ssyncset.done $0x0  }
0x60: {  	[sflag:s31] =	ssyncadd.s32 $0xFFFFFD80  }
0x61: {  	s6 =	simm.s32 $0x0;
	[bflag:$0x0] =	sbarrier.arrive $0xFFFF  }
0x62: {  	s5 =	simm.s32 $0x14680;
	s19 =	simm.s32 $0x0;
	s14 =	rddreg [dreg:$0xa]  }
.LBB2_4:
0x63: {  	s7 =	sshll.u32 s6, $0xB;
	s8 =	rddreg [dreg:$0xf]  }
0x64: {  	s7 =	sadd.s32 s8, s7  }
0x65: {  	s7 =	sshrl.u32 s7, $0x3  }
0x66: {  	s9 =	sadd.s32 s21, s7  }
0x67: {  	[tilespmem:s5], [sflag:$0x4] =	stream.linear.gather [hbm4b:s9+s19], $0x800, $0x38;
	[tilespmem:$0x1C180] =	vst v63  }
0x68: {  	_ =	swait.ge [sflag:s31], $0x800  }
0x69: {  	[sflag:s31] =	ssyncset.done $0x0  }
0x6a: {  	s10 =	sadd.s32 s22, s7;
	s9 =	simm.s32 $0x14E80;
	[sflag:s31] =	ssyncadd.s32 $0xFFFFF800  }
0x6b: {  	[tilespmem:s9], [sflag:$0x4] =	stream.linear.gather [hbm4b:s10+s19], $0x800, $0x38;
	[tilespmem:$0x1C180] =	vst v63  }
0x6c: {  	_ =	swait.ge [sflag:s31], $0x800  }
0x6d: {  	[sflag:s31] =	ssyncset.done $0x0  }
0x6e: {  	s11 =	simm.s32 $0x15680;
	s7 =	sadd.s32 s14, s7;
	[sflag:s31] =	ssyncadd.s32 $0xFFFFF800  }
0x6f: {  	[tilespmem:s11], [sflag:$0x4] =	stream.linear.gather [hbm4b:s7+s19], $0x800, $0x38;
	[tilespmem:$0x1C180] =	vst v63  }
0x70: {  	_ =	swait.ge [sflag:s31], $0x800  }
0x71: {  	[sflag:s31] =	ssyncset.done $0x0  }
0x72: {  	[sflag:s31] =	ssyncadd.s32 $0xFFFFF800  }
0x73: {  	v2 =	vld [tilespmem:$0x14680]  }
0x74: {  	v3 =	vld [tilespmem:$0x14690]  }
0x75: {  	v4 =	vld [tilespmem:$0x146A0]  }
0x76: {  	v5 =	vld [tilespmem:$0x146B0];
	_ =	sdelay $0x1  }
0x77: {  	[tilespmem:$0x16000] =	vst v2  }
0x78: {  	[tilespmem:$0x16010] =	vst v3  }
0x79: {  	[tilespmem:$0x16020] =	vst v4  }
0x7a: {  	s10 =	simm.s32 $0x146F0;
	[tilespmem:$0x16030] =	vst v5  }
0x7b: {  	[tilespmem:s1], [sflag:$0x1] =	stream.indirect.gather [hbm4b:s0+s13], $0x80, s15, s13, $0xb8;
	[tilespmem:$0x1C180] =	vst v63  }
0x7c: {  	v2 =	vld [tilespmem:s10+$0xFFFFFFD0];
	_ =	sdelay $0x4  }
0x7d: {  	[tilespmem:$0x16080] =	vst v2  }
0x7e: {  	v2 =	vld [tilespmem:s10+$0xFFFFFFE0];
	_ =	sdelay $0x4  }
0x7f: {  	[tilespmem:$0x16090] =	vst v2  }
0x80: {  	v2 =	vld [tilespmem:s10+$0xFFFFFFF0];
	_ =	sdelay $0x4  }
0x81: {  	[tilespmem:$0x160A0] =	vst v2  }
0x82: {  	v2 =	vld [tilespmem:s10+$0x0];
	_ =	sdelay $0x4  }
0x83: {  	[tilespmem:$0x160B0] =	vst v2  }
0x84: {  	[tilespmem:s17], [sflag:$0x2] =	stream.indirect.gather [hbm4b:s0+s13], $0x80, s16, s13, $0xb8;
	[tilespmem:$0x1C180] =	vst v63  }
0x85: {  	_ =	swait.ge [sflag:s18], $0x2000  }
0x86: {  	[sflag:s18] =	ssyncset.done $0x0  }
0x87: {  	s11 =	simm.s32 $0x156C0;
	[sflag:s18] =	ssyncadd.s32 $0xFFFFE000  }
0x88: {  	s7 =	simm.s32 $0x14EC0;
	v2 =	vld [tilespmem:s11+$0xFFFFFFC0]  }
0x89: {  	v3 =	vld [tilespmem:s7+$0xFFFFFFC0];
	_ =	sdelay $0x3  }
0x8a: {  	vm0 =	veq.s32 v2, v0  }
0x8b: {  	v2 =	vnsel vm0, $0x2710, v3  }
0x8c: {  	v57 =	vshrl.u32 v3, $0x7;
	v3 =	vand.u32 $0x7F, v3;
	[tilespmem:$0x15E80] =	vst v2  }
0x8d: {  	v2 =	vnsel vm0, $0x4F, v57;
	[tilespmem:$0x15F80] =	vst v3  }
0x8e: {  	[tilespmem:$0x15F00] =	vst v2  }
0x8f: {  	v2 =	vld [tilespmem:s11+$0xFFFFFFD0]  }
0x90: {  	v3 =	vld [tilespmem:s7+$0xFFFFFFD0];
	_ =	sdelay $0x3  }
0x91: {  	vm0 =	veq.s32 v2, v0  }
0x92: {  	v2 =	vnsel vm0, $0x2710, v3  }
0x93: {  	v58 =	vshrl.u32 v3, $0x7;
	v3 =	vand.u32 $0x7F, v3;
	[tilespmem:$0x15E90] =	vst v2  }
0x94: {  	v2 =	vnsel vm0, $0x4F, v58;
	[tilespmem:$0x15F90] =	vst v3  }
0x95: {  	[tilespmem:$0x15F10] =	vst v2  }
0x96: {  	v2 =	vld [tilespmem:s11+$0xFFFFFFE0]  }
0x97: {  	v3 =	vld [tilespmem:s7+$0xFFFFFFE0];
	_ =	sdelay $0x4  }
0x98: {  	vm0 =	veq.s32 v2, v0;
	v2 =	vand.u32 $0x7F, v3  }
0x99: {  	v59 =	vnsel vm0, $0x2710, v3;
	v3 =	vshrl.u32 v3, $0x7;
	[tilespmem:$0x15FA0] =	vst v2  }
0x9a: {  	v2 =	vnsel vm0, $0x4F, v3;
	[tilespmem:$0x15EA0] =	vst v59  }
0x9b: {  	[tilespmem:$0x15F20] =	vst v2  }
0x9c: {  	v2 =	vld [tilespmem:s11+$0xFFFFFFF0]  }
0x9d: {  	v3 =	vld [tilespmem:s7+$0xFFFFFFF0];
	_ =	sdelay $0x4  }
0x9e: {  	vm0 =	veq.s32 v2, v0;
	v2 =	vand.u32 $0x7F, v3  }
0x9f: {  	v60 =	vnsel vm0, $0x2710, v3;
	v3 =	vshrl.u32 v3, $0x7;
	[tilespmem:$0x15FB0] =	vst v2  }
0xa0: {  	v2 =	vnsel vm0, $0x4F, v3;
	[tilespmem:$0x15EB0] =	vst v60  }
0xa1: {  	[tilespmem:$0x15F30] =	vst v2  }
0xa2: {  	[tilespmem:s24], [sflag:$0x3] =	stream.indirect.gather [spmem:s4], $0x80, s20, s13, $0xb8;
	[tilespmem:$0x1C180] =	vst v63  }
0xa3: {  	_ = 	snop  }
0xa4: {  	[spmem:s2] =	stream.indirect.scatter.add.f32 [tilespmem:s1], [sflag:$0x4], $0x80, s25, s13, $0xb8;
	[tilespmem:$0x1C180] =	vst v63  }
0xa5: {  	_ =	swait.ge [sflag:s31], $0x2000  }
0xa6: {  	[sflag:s31] =	ssyncset.done $0x0  }
0xa7: {  	[sflag:s31] =	ssyncadd.s32 $0xFFFFE000  }
0xa8: {  	_ =	swait.ge [sflag:s26], $0x2000  }
0xa9: {  	[sflag:s26] =	ssyncset.done $0x0  }
0xaa: {  	[sflag:s26] =	ssyncadd.s32 $0xFFFFE000  }
0xab: {  	[spmem:s3] =	stream.indirect.scatter.add.f32 [tilespmem:s24], [sflag:$0x4], $0x80, s28, s13, $0xb8;
	[tilespmem:$0x1C180] =	vst v63  }
0xac: {  	_ =	swait.ge [sflag:s31], $0x2000  }
0xad: {  	s9 =	smin.u32 s19, $0x1D;
	[sflag:s31] =	ssyncset.done $0x0  }
0xae: {  	s8 =	sshll.u32 s9, $0x6;
	[sflag:s31] =	ssyncadd.s32 $0xFFFFE000  }
0xaf: {  	v2 =	vld [tilespmem:s8+$0x14700];
	_ =	sdelay $0x4  }
0xb0: {  	[tilespmem:$0x16000] =	vst v2  }
0xb1: {  	v2 =	vld [tilespmem:s8+$0x14710];
	_ =	sdelay $0x4  }
0xb2: {  	[tilespmem:$0x16010] =	vst v2  }
0xb3: {  	v2 =	vld [tilespmem:s8+$0x14720];
	_ =	sdelay $0x4  }
0xb4: {  	[tilespmem:$0x16020] =	vst v2  }
0xb5: {  	v2 =	vld [tilespmem:s8+$0x14730];
	_ =	sdelay $0x4  }
0xb6: {  	[tilespmem:$0x16030] =	vst v2  }
0xb7: {  	[tilespmem:s1], [sflag:$0x1] =	stream.indirect.gather [hbm4b:s0+s13], $0x80, s15, s13, $0xb8;
	[tilespmem:$0x1C180] =	vst v63  }
0xb8: {  	_ =	swait.ge [sflag:s29], $0x2000  }
0xb9: {  	[sflag:s29] =	ssyncset.done $0x0  }
0xba: {  	[sflag:s29] =	ssyncadd.s32 $0xFFFFE000  }
0xbb: {  	v2 =	vld [tilespmem:s11+$0x0]  }
0xbc: {  	v3 =	vld [tilespmem:s7+$0x0];
	_ =	sdelay $0x3  }
0xbd: {  	vm0 =	veq.s32 v2, v0  }
0xbe: {  	v2 =	vnsel vm0, $0x2710, v3  }
0xbf: {  	v61 =	vshrl.u32 v3, $0x7;
	v3 =	vand.u32 $0x7F, v3;
	[tilespmem:$0x15E80] =	vst v2  }
0xc0: {  	v2 =	vnsel vm0, $0x4F, v61;
	[tilespmem:$0x15F80] =	vst v3  }
0xc1: {  	[tilespmem:$0x15F00] =	vst v2  }
0xc2: {  	v2 =	vld [tilespmem:s11+$0x10]  }
0xc3: {  	v3 =	vld [tilespmem:s7+$0x10];
	_ =	sdelay $0x3  }
0xc4: {  	vm0 =	veq.s32 v2, v0  }
0xc5: {  	v2 =	vnsel vm0, $0x2710, v3  }
0xc6: {  	v62 =	vshrl.u32 v3, $0x7;
	v3 =	vand.u32 $0x7F, v3;
	[tilespmem:$0x15E90] =	vst v2  }
0xc7: {  	v2 =	vnsel vm0, $0x4F, v62;
	[tilespmem:$0x15F90] =	vst v3  }
0xc8: {  	[tilespmem:$0x15F10] =	vst v2  }
0xc9: {  	v2 =	vld [tilespmem:s11+$0x20]  }
0xca: {  	v3 =	vld [tilespmem:s7+$0x20];
	_ =	sdelay $0x4  }
0xcb: {  	vm0 =	veq.s32 v2, v0;
	v2 =	vand.u32 $0x7F, v3  }
0xcc: {  	v63 =	vnsel vm0, $0x2710, v3;
	v3 =	vshrl.u32 v3, $0x7;
	[tilespmem:$0x15FA0] =	vst v2  }
0xcd: {  	v2 =	vnsel vm0, $0x4F, v3;
	[tilespmem:$0x15EA0] =	vst v63  }
0xce: {  	[tilespmem:$0x15F20] =	vst v2  }
0xcf: {  	v3 =	vld [tilespmem:s11+$0x30]  }
0xd0: {  	v2 =	vld [tilespmem:s7+$0x30];
	_ =	sdelay $0x3  }
0xd1: {  	s8 =	simm.s32 $0x2;
	vm0 =	veq.s32 v3, v0  }
.LBB2_5:
0xd2: {  	v3 =	vshrl.u32 v2, $0x7;
	s10 =	sadd.s32 $0x80, s10;
	s11 =	sadd.s32 $0x80, s11;
	s7 =	sadd.s32 $0x80, s7  }
0xd3: {  	p1 =	sne.s32 s8, $0x1E;
	v4 =	vnsel vm0, $0x2710, v2;
	v2 =	vand.u32 $0x7F, v2;
	s9 =	smov.u32 s8;
	s8 =	sadd.s32 $0x2, s8;
	v3 =	vnsel vm0, $0x4F, v3  }
0xd4: {  	[tilespmem:$0x15FB0] =	vst v2  }
0xd5: {  	[tilespmem:$0x15EB0] =	vst v4  }
0xd6: {  	[tilespmem:$0x15F30] =	vst v3  }
0xd7: {  	[tilespmem:s24], [sflag:$0x3] =	stream.indirect.gather [spmem:s4], $0x80, s20, s13, $0xb8;
	[tilespmem:$0x1C180] =	vst v63  }
0xd8: {  	_ = 	snop  }
0xd9: {  	[spmem:s2] =	stream.indirect.scatter.add.f32 [tilespmem:s17], [sflag:$0x4], $0x80, s25, s13, $0xb8;
	[tilespmem:$0x1C180] =	vst v63  }
0xda: {  	_ =	swait.ge [sflag:s31], $0x2000  }
0xdb: {  	[sflag:s31] =	ssyncset.done $0x0  }
0xdc: {  	[sflag:s31] =	ssyncadd.s32 $0xFFFFE000  }
0xdd: {  	_ =	swait.ge [sflag:s26], $0x2000  }
0xde: {  	[sflag:s26] =	ssyncset.done $0x0  }
0xdf: {  	[sflag:s26] =	ssyncadd.s32 $0xFFFFE000  }
0xe0: {  	[spmem:s3] =	stream.indirect.scatter.add.f32 [tilespmem:s24], [sflag:$0x4], $0x80, s28, s13, $0xb8;
	[tilespmem:$0x1C180] =	vst v63  }
0xe1: {  	_ =	swait.ge [sflag:s31], $0x2000  }
0xe2: {  	[sflag:s31] =	ssyncset.done $0x0  }
0xe3: {  	[sflag:s31] =	ssyncadd.s32 $0xFFFFE000  }
0xe4: {  	v2 =	vld [tilespmem:s10+$0xFFFFFFD0];
	_ =	sdelay $0x4  }
0xe5: {  	[tilespmem:$0x16080] =	vst v2  }
0xe6: {  	v2 =	vld [tilespmem:s10+$0xFFFFFFE0];
	_ =	sdelay $0x4  }
0xe7: {  	[tilespmem:$0x16090] =	vst v2  }
0xe8: {  	v2 =	vld [tilespmem:s10+$0xFFFFFFF0];
	_ =	sdelay $0x4  }
0xe9: {  	[tilespmem:$0x160A0] =	vst v2  }
0xea: {  	v2 =	vld [tilespmem:s10+$0x0];
	_ =	sdelay $0x4  }
0xeb: {  	[tilespmem:$0x160B0] =	vst v2  }
0xec: {  	[tilespmem:s17], [sflag:$0x2] =	stream.indirect.gather [hbm4b:s0+s13], $0x80, s16, s13, $0xb8;
	[tilespmem:$0x1C180] =	vst v63  }
0xed: {  	_ =	swait.ge [sflag:s18], $0x2000  }
0xee: {  	[sflag:s18] =	ssyncset.done $0x0  }
0xef: {  	[sflag:s18] =	ssyncadd.s32 $0xFFFFE000  }
0xf0: {  	v2 =	vld [tilespmem:s11+$0xFFFFFFC0]  }
0xf1: {  	v3 =	vld [tilespmem:s7+$0xFFFFFFC0];
	_ =	sdelay $0x3  }
0xf2: {  	vm0 =	veq.s32 v2, v0  }
0xf3: {  	v2 =	vnsel vm0, $0x2710, v3;
	v4 =	vshrl.u32 v3, $0x7;
	v3 =	vand.u32 $0x7F, v3  }
0xf4: {  	[tilespmem:$0x15E80] =	vst v2;
	v2 =	vnsel vm0, $0x4F, v4  }
0xf5: {  	[tilespmem:$0x15F00] =	vst v2  }
0xf6: {  	[tilespmem:$0x15F80] =	vst v3  }
0xf7: {  	v2 =	vld [tilespmem:s11+$0xFFFFFFD0]  }
0xf8: {  	v3 =	vld [tilespmem:s7+$0xFFFFFFD0];
	_ =	sdelay $0x3  }
0xf9: {  	vm0 =	veq.s32 v2, v0  }
0xfa: {  	v2 =	vnsel vm0, $0x2710, v3;
	v4 =	vshrl.u32 v3, $0x7;
	v3 =	vand.u32 $0x7F, v3  }
0xfb: {  	[tilespmem:$0x15E90] =	vst v2;
	v2 =	vnsel vm0, $0x4F, v4  }
0xfc: {  	[tilespmem:$0x15F10] =	vst v2  }
0xfd: {  	[tilespmem:$0x15F90] =	vst v3  }
0xfe: {  	v2 =	vld [tilespmem:s11+$0xFFFFFFE0]  }
0xff: {  	v3 =	vld [tilespmem:s7+$0xFFFFFFE0];
	_ =	sdelay $0x3  }
0x100: {  	vm0 =	veq.s32 v2, v0  }
0x101: {  	v2 =	vnsel vm0, $0x2710, v3;
	v4 =	vshrl.u32 v3, $0x7;
	v3 =	vand.u32 $0x7F, v3  }
0x102: {  	v4 =	vnsel vm0, $0x4F, v4;
	[tilespmem:$0x15FA0] =	vst v3  }
0x103: {  	[tilespmem:$0x15EA0] =	vst v2  }
0x104: {  	[tilespmem:$0x15F20] =	vst v4  }
0x105: {  	v2 =	vld [tilespmem:s11+$0xFFFFFFF0]  }
0x106: {  	v3 =	vld [tilespmem:s7+$0xFFFFFFF0];
	_ =	sdelay $0x3  }
0x107: {  	vm0 =	veq.s32 v2, v0  }
0x108: {  	v2 =	vnsel vm0, $0x2710, v3;
	v4 =	vshrl.u32 v3, $0x7;
	v3 =	vand.u32 $0x7F, v3  }
0x109: {  	v4 =	vnsel vm0, $0x4F, v4;
	[tilespmem:$0x15FB0] =	vst v3  }
0x10a: {  	[tilespmem:$0x15EB0] =	vst v2  }
0x10b: {  	[tilespmem:$0x15F30] =	vst v4  }
0x10c: {  	[tilespmem:s24], [sflag:$0x3] =	stream.indirect.gather [spmem:s4], $0x80, s20, s13, $0xb8;
	[tilespmem:$0x1C180] =	vst v63  }
0x10d: {  	_ = 	snop  }
0x10e: {  	[spmem:s2] =	stream.indirect.scatter.add.f32 [tilespmem:s1], [sflag:$0x4], $0x80, s25, s13, $0xb8;
	[tilespmem:$0x1C180] =	vst v63  }
0x10f: {  	_ =	swait.ge [sflag:s31], $0x2000  }
0x110: {  	[sflag:s31] =	ssyncset.done $0x0  }
0x111: {  	[sflag:s31] =	ssyncadd.s32 $0xFFFFE000  }
0x112: {  	_ =	swait.ge [sflag:s26], $0x2000  }
0x113: {  	[sflag:s26] =	ssyncset.done $0x0  }
0x114: {  	[sflag:s26] =	ssyncadd.s32 $0xFFFFE000  }
0x115: {  	[spmem:s3] =	stream.indirect.scatter.add.f32 [tilespmem:s24], [sflag:$0x4], $0x80, s28, s13, $0xb8;
	[tilespmem:$0x1C180] =	vst v63  }
0x116: {  	_ =	swait.ge [sflag:s31], $0x2000  }
0x117: {  	s9 =	smin.u32 s9, $0x1D;
	[sflag:s31] =	ssyncset.done $0x0  }
0x118: {  	s9 =	sshll.u32 s9, $0x6;
	[sflag:s31] =	ssyncadd.s32 $0xFFFFE000  }
0x119: {  	v2 =	vld [tilespmem:s9+$0x14700];
	_ =	sdelay $0x4  }
0x11a: {  	[tilespmem:$0x16000] =	vst v2  }
0x11b: {  	v2 =	vld [tilespmem:s9+$0x14710];
	_ =	sdelay $0x4  }
0x11c: {  	[tilespmem:$0x16010] =	vst v2  }
0x11d: {  	v2 =	vld [tilespmem:s9+$0x14720];
	_ =	sdelay $0x4  }
0x11e: {  	[tilespmem:$0x16020] =	vst v2  }
0x11f: {  	v2 =	vld [tilespmem:s9+$0x14730];
	_ =	sdelay $0x4  }
0x120: {  	[tilespmem:$0x16030] =	vst v2  }
0x121: {  	[tilespmem:s1], [sflag:$0x1] =	stream.indirect.gather [hbm4b:s0+s13], $0x80, s15, s13, $0xb8;
	[tilespmem:$0x1C180] =	vst v63  }
0x122: {  	_ =	swait.ge [sflag:s29], $0x2000  }
0x123: {  	[sflag:s29] =	ssyncset.done $0x0  }
0x124: {  	[sflag:s29] =	ssyncadd.s32 $0xFFFFE000  }
0x125: {  	v2 =	vld [tilespmem:s11+$0x0]  }
0x126: {  	v3 =	vld [tilespmem:s7+$0x0];
	_ =	sdelay $0x3  }
0x127: {  	vm0 =	veq.s32 v2, v0  }
0x128: {  	v2 =	vnsel vm0, $0x2710, v3;
	v4 =	vshrl.u32 v3, $0x7;
	v3 =	vand.u32 $0x7F, v3  }
0x129: {  	[tilespmem:$0x15E80] =	vst v2;
	v2 =	vnsel vm0, $0x4F, v4  }
0x12a: {  	[tilespmem:$0x15F00] =	vst v2  }
0x12b: {  	[tilespmem:$0x15F80] =	vst v3  }
0x12c: {  	v2 =	vld [tilespmem:s11+$0x10]  }
0x12d: {  	v3 =	vld [tilespmem:s7+$0x10];
	_ =	sdelay $0x3  }
0x12e: {  	vm0 =	veq.s32 v2, v0  }
0x12f: {  	v2 =	vnsel vm0, $0x2710, v3;
	v4 =	vshrl.u32 v3, $0x7;
	v3 =	vand.u32 $0x7F, v3  }
0x130: {  	[tilespmem:$0x15E90] =	vst v2;
	v2 =	vnsel vm0, $0x4F, v4  }
0x131: {  	[tilespmem:$0x15F10] =	vst v2  }
0x132: {  	[tilespmem:$0x15F90] =	vst v3  }
0x133: {  	v2 =	vld [tilespmem:s11+$0x20]  }
0x134: {  	v3 =	vld [tilespmem:s7+$0x20];
	_ =	sdelay $0x3  }
0x135: {  	vm0 =	veq.s32 v2, v0  }
0x136: {  	v2 =	vnsel vm0, $0x2710, v3;
	v4 =	vshrl.u32 v3, $0x7;
	v3 =	vand.u32 $0x7F, v3  }
0x137: {  	v4 =	vnsel vm0, $0x4F, v4;
	[tilespmem:$0x15FA0] =	vst v3  }
0x138: {  	[tilespmem:$0x15EA0] =	vst v2  }
0x139: {  	[tilespmem:$0x15F20] =	vst v4  }
0x13a: {  	v3 =	vld [tilespmem:s11+$0x30]  }
.Ltmp1:
0x13b: {  	v2 =	vld [tilespmem:s7+$0x30];
	(pc) =	sbr.rel @p1 .LBB2_5-.Ltmp1, $2  }
0x13c: {  	_ =	sdelay $0x2  }
0x13d: {  	vm0 =	veq.s32 v3, v0  }
0x13e: {  	v3 =	vand.u32 $0x7F, v2  }
0x13f: {  	v4 =	vshrl.u32 v2, $0x7;
	v2 =	vnsel vm0, $0x2710, v2;
	[tilespmem:$0x15FB0] =	vst v3  }
0x140: {  	v3 =	vnsel vm0, $0x4F, v4;
	[tilespmem:$0x15EB0] =	vst v2  }
0x141: {  	[tilespmem:$0x15F30] =	vst v3  }
0x142: {  	[tilespmem:s24], [sflag:$0x3] =	stream.indirect.gather [spmem:s4], $0x80, s20, s13, $0xb8;
	[tilespmem:$0x1C180] =	vst v63  }
0x143: {  	_ = 	snop  }
0x144: {  	[spmem:s2] =	stream.indirect.scatter.add.f32 [tilespmem:s17], [sflag:$0x4], $0x80, s25, s13, $0xb8;
	[tilespmem:$0x1C180] =	vst v63  }
0x145: {  	_ =	swait.ge [sflag:s31], $0x2000  }
0x146: {  	[sflag:s31] =	ssyncset.done $0x0  }
0x147: {  	[sflag:s31] =	ssyncadd.s32 $0xFFFFE000  }
0x148: {  	_ =	swait.ge [sflag:s26], $0x2000  }
0x149: {  	[sflag:s26] =	ssyncset.done $0x0  }
0x14a: {  	s6 =	sadd.s32 $0x1, s6;
	[sflag:s26] =	ssyncadd.s32 $0xFFFFE000  }
0x14b: {  	[spmem:s3] =	stream.indirect.scatter.add.f32 [tilespmem:s24], [sflag:$0x4], $0x80, s28, s13, $0xb8;
	[tilespmem:$0x1C180] =	vst v63  }
0x14c: {  	p1 =	sne.s32 s6, $0xA;
	_ =	swait.ge [sflag:s31], $0x2000  }
.Ltmp2:
0x14d: {  	[sflag:s31] =	ssyncset.done $0x0;
	(pc) =	sbr.rel @p1 .LBB2_4-.Ltmp2, $4  }
0x14e: {  	[sflag:s31] =	ssyncadd.s32 $0xFFFFE000  }
0x14f: {  	_ =	swait.ge [sflag:s18], $0x2000  }
0x150: {  	[sflag:s18] =	ssyncset.done $0x0  }
0x151: {  	[sflag:s18] =	ssyncadd.s32 $0xFFFFE000  }
0x152: {  	[bflag:$0x0] =	sbarrier.arrive $0xFFFF  }
0x153: {  	s8 =	simm.s32 $0x1C100;
	s14 =	rddreg [dreg:$0x14]  }
0x154: {  	[tilespmem:s8], [sflag:$0x5] =	stream.linear.gather [hbm4b:s14+s30], $0x40, $0x38;
	[tilespmem:$0x1C180] =	vst v63  }
0x155: {  	_ =	swait.ge [sflag:s12], $0x40  }
0x156: {  	[sflag:s12] =	ssyncset.done $0x0  }
0x157: {  	[sflag:s12] =	ssyncadd.s32 $0xFFFFFFC0  }
0x158: {  	v2 =	vld [tilespmem:$0x1C130]  }
0x159: {  	v3 =	vld [tilespmem:$0x1C120]  }
0x15a: {  	v4 =	vld [tilespmem:$0x1C100]  }
0x15b: {  	v5 =	vld [tilespmem:$0x1C110];
	_ =	sdelay $0x1  }
0x15c: {  	v2 =	vshrl.u32 v2, $0x7  }
0x15d: {  	v3 =	vshrl.u32 v3, $0x7;
	[tilespmem:$0x15F30] =	vst v2  }
0x15e: {  	v2 =	vshrl.u32 v4, $0x7;
	[tilespmem:$0x15F20] =	vst v3  }
0x15f: {  	[tilespmem:$0x15F00] =	vst v2;
	v2 =	vshrl.u32 v5, $0x7  }
0x160: {  	[tilespmem:$0x15F10] =	vst v2  }
0x161: {  	[tilespmem:s1], [sflag:$0x1] =	stream.indirect.gather [spmem:s2], $0x80, s8, s13, $0xb8;
	[tilespmem:$0x1C180] =	vst v63  }
0x162: {  	_ = 	snop  }
0x163: {  	[tilespmem:s24], [sflag:$0x3] =	stream.indirect.gather [spmem:s3], $0x80, s28, s13, $0xb8;
	[tilespmem:$0x1C180] =	vst v63  }
0x164: {  	_ =	swait.ge [sflag:s18], $0x2000  }
0x165: {  	[sflag:s18] =	ssyncset.done $0x0  }
0x166: {  	[sflag:s18] =	ssyncadd.s32 $0xFFFFE000  }
0x167: {  	_ =	swait.ge [sflag:s26], $0x2000  }
0x168: {  	[sflag:s26] =	ssyncset.done $0x0  }
0x169: {  	s6 =	sadd.s32 $0x0, s23;
	[sflag:s26] =	ssyncadd.s32 $0xFFFFE000  }
0x16a: {  	[hbm4b:s6+s30] =	stream.linear.scatter [tilespmem:s1], [sflag:$0x5], $0x2000, $0x38;
	[tilespmem:$0x1C180] =	vst v63  }
0x16b: {  	_ =	swait.ge [sflag:s12], $0x2000  }
0x16c: {  	s30 =	smov.u32 s23;
	[sflag:s12] =	ssyncset.done $0x0;
	s23 =	rddreg [dreg:$0x16]  }
0x16d: {  	s7 =	simm.s32 $0x0;
	s22 =	sadd.s32 $0x0, s23;
	[sflag:s12] =	ssyncadd.s32 $0xFFFFE000  }
0x16e: {  	[hbm4b:s22+s7] =	stream.linear.scatter [tilespmem:s24], [sflag:$0x5], $0x2000, $0x38;
	[tilespmem:$0x1C180] =	vst v63  }
0x16f: {  	_ =	swait.ge [sflag:s12], $0x2000  }
0x170: {  	s5 =	simm.s32 @!p0 $0x40;
	s10 =	simm.s32 @!p0 $0x1C100;
	[sflag:s12] =	ssyncset.done $0x0  }
0x171: {  	s9 =	simm.s32 @!p0 $0x2;
	s6 =	simm.s32 @!p0 $0x18100;
	[sflag:s12] =	ssyncadd.s32 $0xFFFFE000  }
0x172: {  	[tilespmem:s6], [sflag:$0x2] =	stream.indirect.gather @!p0 [hbm4b:s0+s5], $0x80, s10, s5, $0xb8;
	[tilespmem:$0x1C180] =	vst v63  }
0x173: {  	s11 =	simm.s32 $0x400;
	_ =	swait.ge @!p0 [sflag:s9], $0x2000  }
0x174: {  	s14 =	sadd.s32 $0x8, s14;
	[sflag:s9] =	ssyncset.done @!p0 $0x0;
	s5 =	rddreg [dreg:$0x17]  }
0x175: {  	s10 =	simm.s32 @!p0 $0x4;
	s21 =	sadd.s32 @!p0 $0x0, s5;
	[sflag:s9] =	ssyncadd.s32 @!p0 $0xFFFFE000  }
.LBB2_8:
0x176: {  	s19 =	simm.s32 @!p0 $0x0  }
0x177: {  	[hbm4b:s21+s19] =	stream.linear.scatter @!p0 [tilespmem:s6], [sflag:$0x4], $0x2000, $0x38;
	[tilespmem:$0x1C180] =	vst v63  }
0x178: {  	s21 =	smov.u32 s11;
	s11 =	sadd.s32 $0x400, s11;
	_ =	swait.ge @!p0 [sflag:s10], $0x2000  }
0x179: {  	p1 =	sne.s32 s11, $0x1000;
	[sflag:s10] =	ssyncset.done @!p0 $0x0  }
0x17a: {  	[sflag:s10] =	ssyncadd.s32 @!p0 $0xFFFFE000  }
0x17b: {  	[tilespmem:s8], [sflag:$0x5] =	stream.linear.gather [hbm4b:s14+s7], $0x40, $0x38;
	[tilespmem:$0x1C180] =	vst v63  }
0x17c: {  	_ =	swait.ge [sflag:s12], $0x40  }
0x17d: {  	[sflag:s12] =	ssyncset.done $0x0  }
0x17e: {  	[sflag:s12] =	ssyncadd.s32 $0xFFFFFFC0  }
0x17f: {  	v2 =	vld [tilespmem:$0x1C130]  }
0x180: {  	v3 =	vld [tilespmem:$0x1C120]  }
0x181: {  	v4 =	vld [tilespmem:$0x1C100]  }
0x182: {  	v5 =	vld [tilespmem:$0x1C110];
	_ =	sdelay $0x1  }
0x183: {  	v2 =	vshrl.u32 v2, $0x7  }
0x184: {  	v3 =	vshrl.u32 v3, $0x7;
	[tilespmem:$0x15F30] =	vst v2  }
0x185: {  	v2 =	vshrl.u32 v4, $0x7;
	[tilespmem:$0x15F20] =	vst v3  }
0x186: {  	[tilespmem:$0x15F00] =	vst v2;
	v2 =	vshrl.u32 v5, $0x7  }
0x187: {  	[tilespmem:$0x15F10] =	vst v2  }
0x188: {  	[tilespmem:s1], [sflag:$0x1] =	stream.indirect.gather [spmem:s2], $0x80, s8, s13, $0xb8;
	[tilespmem:$0x1C180] =	vst v63  }
0x189: {  	_ = 	snop  }
0x18a: {  	[tilespmem:s24], [sflag:$0x3] =	stream.indirect.gather [spmem:s3], $0x80, s28, s13, $0xb8;
	[tilespmem:$0x1C180] =	vst v63  }
0x18b: {  	_ =	swait.ge [sflag:s18], $0x2000  }
0x18c: {  	[sflag:s18] =	ssyncset.done $0x0  }
0x18d: {  	[sflag:s18] =	ssyncadd.s32 $0xFFFFE000  }
0x18e: {  	_ =	swait.ge [sflag:s26], $0x2000  }
0x18f: {  	s22 =	sadd.s32 s21, s30;
	[sflag:s26] =	ssyncset.done $0x0  }
0x190: {  	[sflag:s26] =	ssyncadd.s32 $0xFFFFE000  }
0x191: {  	[hbm4b:s22+s7] =	stream.linear.scatter [tilespmem:s1], [sflag:$0x5], $0x2000, $0x38;
	[tilespmem:$0x1C180] =	vst v63  }
0x192: {  	_ =	swait.ge [sflag:s12], $0x2000  }
0x193: {  	s22 =	sadd.s32 s21, s23;
	[sflag:s12] =	ssyncset.done $0x0  }
0x194: {  	[sflag:s12] =	ssyncadd.s32 $0xFFFFE000  }
0x195: {  	[hbm4b:s22+s7] =	stream.linear.scatter [tilespmem:s24], [sflag:$0x5], $0x2000, $0x38;
	[tilespmem:$0x1C180] =	vst v63  }
0x196: {  	_ =	swait.ge [sflag:s12], $0x2000  }
0x197: {  	s19 =	simm.s32 @!p0 $0x1C100;
	[sflag:s12] =	ssyncset.done $0x0  }
.Ltmp3:
0x198: {  	s22 =	simm.s32 @!p0 $0x40;
	[sflag:s12] =	ssyncadd.s32 $0xFFFFE000;
	(pc) =	sbr.rel @p1 .LBB2_8-.Ltmp3, $4  }
0x199: {  	[tilespmem:s6], [sflag:$0x2] =	stream.indirect.gather @!p0 [hbm4b:s0+s22], $0x80, s19, s22, $0xb8;
	[tilespmem:$0x1C180] =	vst v63  }
0x19a: {  	_ =	swait.ge @!p0 [sflag:s9], $0x2000  }
0x19b: {  	s21 =	sadd.s32 @!p0 s21, s5;
	[sflag:s9] =	ssyncset.done @!p0 $0x0  }
0x19c: {  	s14 =	sadd.s32 $0x8, s14;
	[sflag:s9] =	ssyncadd.s32 @!p0 $0xFFFFE000  }
0x19d: {  	s7 =	simm.s32 @!p0 $0x0  }
0x19e: {  	[hbm4b:s21+s7] =	stream.linear.scatter @!p0 [tilespmem:s6], [sflag:$0x4], $0x2000, $0x38;
	[tilespmem:$0x1C180] =	vst v63  }
0x19f: {  	_ =	swait.ge @!p0 [sflag:s10], $0x2000  }
0x1a0: {  	s22 =	rddreg [dreg:$0x1e]  }
0x1a1: {  	s23 =	rddreg [dreg:$0x10];
	s7 =	sadd.s32 $0x1, s22  }
0x1a2: {  	p1 =	sne.s32 s7, s23  }
.Ltmp4:
0x1a3: {  	_ = 	snop;
	(pc) =	sbr.rel @p1 .LBB2_1-.Ltmp4, $4  }
0x1a4: {  	_ = 	snop  }
0x1a5: {  	[sflag:s10] =	ssyncset.done @!p0 $0x0  }
0x1a6: {  	s21 =	rddreg [dreg:$0x8];
	[sflag:s10] =	ssyncadd.s32 @!p0 $0xFFFFE000  }
0x1a7: {  	s22 =	rddreg [dreg:$0x9];
	s23 =	smov.u32 s30;
	s30 =	simm.s32 $0x0  }
0x1a8: {  	_ =	sfence.sel $0x180000  }
0x1a9: {  	[bflag:$0x0] =	sbarrier.arrive $0xFFFF  }
0x1aa: {  	_ =	strace $0x90000047  }
0x1ab: {  	s0 =	stileid.u32;
	[bflag:$0x2] =	sbarrier.arrive $0xFFFF  }
0x1ac: {  	p0 =	sne.s32 s0, $0x0;
	s0 =	rddreg [dreg:$0x7]  }
0x1ad: {  	s0 =	sadd.s32 @!p0 $0x100000, s0  }
0x1ae: {  	[sflag:s0] =	ssyncadd.tile.s32 @!p0 $0x1;
	_ =	shalt  }
.Lfunc_end2:
_tile_overlayer_lowered:
.L_overlay_start_2:
0x1af: {  	(tag) =	ssettag $0x2  }
0x1b0: {  	s0 =	rddreg [dreg:$0x0];
	s2 =	stileid.u32  }
0x1b1: {  	s1 =	rddreg [dreg:$0x1];
	p0 =	sne.s32 s2, $0x0  }
0x1b2: {  	s3 =	rddreg [dreg:$0x2];
	[bflag:$0x3] =	sbarrier.arrive $0xFFFF;
	s2 =	simm.s32 @!p0 $0x1C04  }
0x1b3: {  	[timem:s3], [sflag:s2] =	dma.local @!p0 [hbm:s0], s1  }
0x1b4: {  	s0 =	simm.s32 @!p0 $0x4  }
0x1b5: {  	_ =	swait.ge @!p0 [sflag:s0], s1  }
0x1b6: {  	s1 =	ssub.s32 @!p0 $0x0, s1;
	[sflag:s0] =	ssyncset.done @!p0 $0x0  }
0x1b7: {  	[sflag:s0] =	ssyncadd.s32 @!p0 s1  }
0x1b8: {  	[bflag:$0x3] =	sbarrier.arrive $0xFFFF  }
0x1b9: {  	_ =	shalt  }

</sc_bundles>
